<compile_context>
chip_gen: v7x
topology: tpu7x:2x2x1
jax: 0.10.2.dev20260603
libtpu: 0.0.44.dev20260713+nightly
codegen_flags: <defaults>
</compile_context>

<pallas_src>
import functools

import jax
import jax.numpy as jnp
from jax import lax
from jax.experimental import pallas as pl
from jax.experimental.pallas import tpu as pltpu
from jax.experimental.pallas import tpu_sc as plsc

_EMBED_DIM = 64
_NC = 2
_NS = 16
_NW = _NC * _NS
_CHUNK = 50
_NBUF = 8


def _make_kernel(batch, seq):
    n_idx = batch * seq
    assert _CHUNK % seq == 0
    rows_per_chunk = _CHUNK // seq
    assert n_idx % (_NW * _CHUNK) == 0
    per_w = n_idx // _NW
    chunks = per_w // _CHUNK
    groups = chunks // _NBUF
    assert chunks % _NBUF == 0 and groups % 2 == 0 and groups >= 4
    rows_per_group = rows_per_chunk * _NBUF
    rows_per_w = per_w // seq

    mesh = plsc.VectorSubcoreMesh(core_axis_name="c", subcore_axis_name="s")

    @functools.partial(
        pl.kernel,
        out_type=jax.ShapeDtypeStruct((batch, seq, _EMBED_DIM), jnp.float32),
        mesh=mesh,
        scratch_types=[
            pltpu.VMEM((chunks, _CHUNK), jnp.int32),
            pltpu.VMEM((_NBUF, _CHUNK, _EMBED_DIM), jnp.float32),
            pltpu.VMEM((_NBUF, _CHUNK, _EMBED_DIM), jnp.float32),
            pltpu.SemaphoreType.DMA,
            pltpu.SemaphoreType.DMA,
            pltpu.SemaphoreType.DMA,
            pltpu.SemaphoreType.DMA,
        ],
        compiler_params=pltpu.CompilerParams(use_tc_tiling_on_sc=False),
    )
    def emb(table_hbm, idx_hbm, out_hbm, idx_v, buf_a, buf_b, gsem_a, gsem_b, wsem_a, wsem_b):
        wid = lax.axis_index("s") * _NC + lax.axis_index("c")
        row0 = wid * rows_per_w
        pltpu.sync_copy(idx_hbm.at[wid], idx_v)

        def fire(buf, gsem, g):
            return [
                pltpu.async_copy(
                    table_hbm.at[idx_v.at[g * _NBUF + b]],
                    buf.at[b],
                    gsem,
                )
                for b in range(_NBUF)
            ]

        def out_slab(g):
            return out_hbm.at[pl.ds(row0 + g * rows_per_group, rows_per_group)]

        def write(buf, wsem, g):
            pltpu.async_copy(buf, out_slab(g), wsem)

        def wait_write(buf, wsem, g):
            pltpu.make_async_copy(buf, out_slab(g), wsem).wait()

        def drain_fire_write(buf, gsem, wsem, descs, g):
            for d in descs:
                d.wait()
            write(buf, wsem, g)

        descs_a = fire(buf_a, gsem_a, 0)
        descs_b = fire(buf_b, gsem_b, 1)
        drain_fire_write(buf_a, gsem_a, wsem_a, descs_a, 0)
        drain_fire_write(buf_b, gsem_b, wsem_b, descs_b, 1)

        @pl.loop(2, groups, step=2)
        def _(ga):
            wait_write(buf_a, wsem_a, ga - 2)
            descs_a = fire(buf_a, gsem_a, ga)
            wait_write(buf_b, wsem_b, ga - 1)
            descs_b = fire(buf_b, gsem_b, ga + 1)
            drain_fire_write(buf_a, gsem_a, wsem_a, descs_a, ga)
            drain_fire_write(buf_b, gsem_b, wsem_b, descs_b, ga + 1)

        wait_write(buf_a, wsem_a, groups - 2)
        wait_write(buf_b, wsem_b, groups - 1)

    return emb, chunks


def kernel(input, weight):
    batch, seq = input.shape
    emb, chunks = _make_kernel(batch, seq)
    idx = input.reshape(_NW, chunks, _CHUNK).astype(jnp.int32)
    return emb(weight, idx)

# --- scband reference (transcript-rebuilt; emitter-appended) ---
"""Pipeline reference for scband-embedding-12902081757328 (READ-ONLY COPY).

The authoritative reference and input builder live on the scoring server;
editing this copy changes nothing except your own understanding.
"""

import jax, jax.numpy as jnp
import numpy as np

VOCAB = 1000000
EMBED_DIM = 64
BATCH = 16384
SEQ = 50

def setup_inputs(seed: int = 0) -> dict:
    key = jax.random.key(seed)
    k_idx, k_w = jax.random.split(key)
    input_ids = jax.random.randint(k_idx, (BATCH, SEQ), 0, VOCAB, dtype=jnp.int64 if jax.config.jax_enable_x64 else jnp.int32)
    weight = jax.random.normal(k_w, (VOCAB, EMBED_DIM), dtype=jnp.float32)
    return {"input": input_ids, "weight": weight}

def reference(input, weight):
    # Embedding lookup: gather rows of the table by token index.
    return jnp.take(weight, input, axis=0)

if __name__ == "__main__":
    import jax
    _d = setup_inputs()
    print(jax.jit(kernel)(*tuple(_d.values())))

</pallas_src>

<mosaic_0001>
#map = affine_map<(d0, d1) -> (0, 0)>
#map1 = affine_map<(d0, d1) -> (0, 0, 0)>
module attributes {stable_mosaic.version = 14 : i64} {
  func.func @emb(%arg0: i32, %arg1: i32, %arg2: memref<1000000x64xf32, #tpu.memory_space<hbm>>, %arg3: memref<32x512x50xi32, #tpu.memory_space<hbm>>, %arg4: memref<16384x50x64xf32, #tpu.memory_space<hbm>>, %arg5: memref<512x50xi32, #tpu.memory_space<vmem>>, %arg6: memref<8x50x64xf32, #tpu.memory_space<vmem>>, %arg7: memref<8x50x64xf32, #tpu.memory_space<vmem>>, %arg8: memref<!tpu.dma_semaphore, #tpu.memory_space<semaphore_mem>>, %arg9: memref<!tpu.dma_semaphore, #tpu.memory_space<semaphore_mem>>, %arg10: memref<!tpu.dma_semaphore, #tpu.memory_space<semaphore_mem>>, %arg11: memref<!tpu.dma_semaphore, #tpu.memory_space<semaphore_mem>>) attributes {dimension_semantics = [#tpu.dimension_semantics<core_parallel>, #tpu.dimension_semantics<subcore_parallel>], iteration_bounds = array<i64: 2, 16>, scalar_prefetch = 0 : i64, scratch_operands = 7 : i64, tpu.core_type = #tpu.core_type<sc_vector_subcore>, window_params = [{transform_indices = #map}, {transform_indices = #map1}, {transform_indices = #map1}]} {
    %mul3A = arith.constant 2 : i32
    %mul3A_0 = arith.muli %arg1, %mul3A : i32
    %add3A = arith.addi %mul3A_0, %arg0 : i32
    %mul3A_1 = arith.constant 512 : i32
    %mul3A_2 = arith.muli %add3A, %mul3A_1 : i32
    "tpu.region"() ({
      %run_scoped3A = tpu.sem_alloc : memref<!tpu.dma_semaphore, #tpu.memory_space<semaphore_mem>>
      %dma_start3A_421 = arith.constant 0 : i32
      %dma_start3A_422 = arith.constant 0 : i32
      %dma_start3A_423 = tpu.memref_slice %arg3[%add3A, %dma_start3A_421, %dma_start3A_422] : memref<32x512x50xi32, #tpu.memory_space<hbm>> -> memref<1x512x50xi32, #tpu.memory_space<hbm>>
      %dma_start3A_424 = tpu.memref_squeeze %dma_start3A_423 : memref<1x512x50xi32, #tpu.memory_space<hbm>> -> memref<512x50xi32, #tpu.memory_space<hbm>>
      %dma_start3A_425 = arith.constant 0 : i32
      %dma_start3A_426 = arith.constant 0 : i32
      %dma_start3A_427 = tpu.memref_slice %arg3[%add3A, %dma_start3A_425, %dma_start3A_426] : memref<32x512x50xi32, #tpu.memory_space<hbm>> -> memref<1x512x50xi32, #tpu.memory_space<hbm>>
      %dma_start3A_428 = tpu.memref_squeeze %dma_start3A_427 : memref<1x512x50xi32, #tpu.memory_space<hbm>> -> memref<512x50xi32, #tpu.memory_space<hbm>>
      tpu.enqueue_dma source(%dma_start3A_428 : memref<512x50xi32, #tpu.memory_space<hbm>>) target(%arg5 : memref<512x50xi32, #tpu.memory_space<vmem>>) target_semaphore(%run_scoped3A : memref<!tpu.dma_semaphore, #tpu.memory_space<semaphore_mem>>)
      %dma_wait3A_429 = arith.constant 0 : i32
      %dma_wait3A_430 = arith.constant 0 : i32
      %dma_wait3A_431 = tpu.memref_slice %arg3[%add3A, %dma_wait3A_429, %dma_wait3A_430] : memref<32x512x50xi32, #tpu.memory_space<hbm>> -> memref<1x512x50xi32, #tpu.memory_space<hbm>>
      %dma_wait3A_432 = tpu.memref_squeeze %dma_wait3A_431 : memref<1x512x50xi32, #tpu.memory_space<hbm>> -> memref<512x50xi32, #tpu.memory_space<hbm>>
      %dma_wait3A_433 = arith.constant 0 : i32
      %dma_wait3A_434 = arith.constant 0 : i32
      %dma_wait3A_435 = tpu.memref_slice %arg3[%add3A, %dma_wait3A_433, %dma_wait3A_434] : memref<32x512x50xi32, #tpu.memory_space<hbm>> -> memref<1x512x50xi32, #tpu.memory_space<hbm>>
      %dma_wait3A_436 = tpu.memref_squeeze %dma_wait3A_435 : memref<1x512x50xi32, #tpu.memory_space<hbm>> -> memref<512x50xi32, #tpu.memory_space<hbm>>
      tpu.wait_dma2 semaphore(%run_scoped3A : memref<!tpu.dma_semaphore, #tpu.memory_space<semaphore_mem>>) src(%dma_wait3A_436 : memref<512x50xi32, #tpu.memory_space<hbm>>) dst(%arg5 : memref<512x50xi32, #tpu.memory_space<vmem>>)
      tpu.yield
    }) : () -> ()
    %dma_start3A = arith.constant 0 : i32
    %dma_start3A_3 = arith.constant 0 : i32
    %dma_start3A_4 = arith.constant 0 : i32
    %dma_start3A_5 = arith.constant 0 : i32
    %dma_start3A_6 = tpu.memref_slice %arg6[%dma_start3A_3, %dma_start3A_4, %dma_start3A_5] : memref<8x50x64xf32, #tpu.memory_space<vmem>> -> memref<1x50x64xf32, #tpu.memory_space<vmem>>
    %dma_start3A_7 = tpu.memref_squeeze %dma_start3A_6 : memref<1x50x64xf32, #tpu.memory_space<vmem>> -> memref<50x64xf32, #tpu.memory_space<vmem>>
    %dma_start3A_8 = arith.constant 0 : i32
    %dma_start3A_9 = tpu.memref_slice %arg5[%dma_start3A, %dma_start3A_8] : memref<512x50xi32, #tpu.memory_space<vmem>> -> memref<1x50xi32, #tpu.memory_space<vmem>>
    %dma_start3A_10 = tpu.memref_squeeze %dma_start3A_9 : memref<1x50xi32, #tpu.memory_space<vmem>> -> memref<50xi32, #tpu.memory_space<vmem>>
    %dma_start3A_11 = arith.constant 0 : i32
    %dma_start3A_12 = arith.constant 0 : i32
    %dma_start3A_13 = tpu.memref_slice %arg2[%dma_start3A_11, %dma_start3A_12] : memref<1000000x64xf32, #tpu.memory_space<hbm>> -> memref<1000000x64xf32, #tpu.memory_space<hbm>>
    tpu.enqueue_indirect_dma source(%dma_start3A_13 : memref<1000000x64xf32, #tpu.memory_space<hbm>>) target(%dma_start3A_7 : memref<50x64xf32, #tpu.memory_space<vmem>>) offsets(%dma_start3A_10 : memref<50xi32, #tpu.memory_space<vmem>>) semaphore(%arg8 : memref<!tpu.dma_semaphore, #tpu.memory_space<semaphore_mem>>)
    %dma_start3A_14 = arith.constant 1 : i32
    %dma_start3A_15 = arith.constant 1 : i32
    %dma_start3A_16 = arith.constant 0 : i32
    %dma_start3A_17 = arith.constant 0 : i32
    %dma_start3A_18 = tpu.memref_slice %arg6[%dma_start3A_15, %dma_start3A_16, %dma_start3A_17] : memref<8x50x64xf32, #tpu.memory_space<vmem>> -> memref<1x50x64xf32, #tpu.memory_space<vmem>>
    %dma_start3A_19 = tpu.memref_squeeze %dma_start3A_18 : memref<1x50x64xf32, #tpu.memory_space<vmem>> -> memref<50x64xf32, #tpu.memory_space<vmem>>
    %dma_start3A_20 = arith.constant 0 : i32
    %dma_start3A_21 = tpu.memref_slice %arg5[%dma_start3A_14, %dma_start3A_20] : memref<512x50xi32, #tpu.memory_space<vmem>> -> memref<1x50xi32, #tpu.memory_space<vmem>>
    %dma_start3A_22 = tpu.memref_squeeze %dma_start3A_21 : memref<1x50xi32, #tpu.memory_space<vmem>> -> memref<50xi32, #tpu.memory_space<vmem>>
    %dma_start3A_23 = arith.constant 0 : i32
    %dma_start3A_24 = arith.constant 0 : i32
    %dma_start3A_25 = tpu.memref_slice %arg2[%dma_start3A_23, %dma_start3A_24] : memref<1000000x64xf32, #tpu.memory_space<hbm>> -> memref<1000000x64xf32, #tpu.memory_space<hbm>>
    tpu.enqueue_indirect_dma source(%dma_start3A_25 : memref<1000000x64xf32, #tpu.memory_space<hbm>>) target(%dma_start3A_19 : memref<50x64xf32, #tpu.memory_space<vmem>>) offsets(%dma_start3A_22 : memref<50xi32, #tpu.memory_space<vmem>>) semaphore(%arg8 : memref<!tpu.dma_semaphore, #tpu.memory_space<semaphore_mem>>)
    %dma_start3A_26 = arith.constant 2 : i32
    %dma_start3A_27 = arith.constant 2 : i32
    %dma_start3A_28 = arith.constant 0 : i32
    %dma_start3A_29 = arith.constant 0 : i32
    %dma_start3A_30 = tpu.memref_slice %arg6[%dma_start3A_27, %dma_start3A_28, %dma_start3A_29] : memref<8x50x64xf32, #tpu.memory_space<vmem>> -> memref<1x50x64xf32, #tpu.memory_space<vmem>>
    %dma_start3A_31 = tpu.memref_squeeze %dma_start3A_30 : memref<1x50x64xf32, #tpu.memory_space<vmem>> -> memref<50x64xf32, #tpu.memory_space<vmem>>
    %dma_start3A_32 = arith.constant 0 : i32
    %dma_start3A_33 = tpu.memref_slice %arg5[%dma_start3A_26, %dma_start3A_32] : memref<512x50xi32, #tpu.memory_space<vmem>> -> memref<1x50xi32, #tpu.memory_space<vmem>>
    %dma_start3A_34 = tpu.memref_squeeze %dma_start3A_33 : memref<1x50xi32, #tpu.memory_space<vmem>> -> memref<50xi32, #tpu.memory_space<vmem>>
    %dma_start3A_35 = arith.constant 0 : i32
    %dma_start3A_36 = arith.constant 0 : i32
    %dma_start3A_37 = tpu.memref_slice %arg2[%dma_start3A_35, %dma_start3A_36] : memref<1000000x64xf32, #tpu.memory_space<hbm>> -> memref<1000000x64xf32, #tpu.memory_space<hbm>>
    tpu.enqueue_indirect_dma source(%dma_start3A_37 : memref<1000000x64xf32, #tpu.memory_space<hbm>>) target(%dma_start3A_31 : memref<50x64xf32, #tpu.memory_space<vmem>>) offsets(%dma_start3A_34 : memref<50xi32, #tpu.memory_space<vmem>>) semaphore(%arg8 : memref<!tpu.dma_semaphore, #tpu.memory_space<semaphore_mem>>)
    %dma_start3A_38 = arith.constant 3 : i32
    %dma_start3A_39 = arith.constant 3 : i32
    %dma_start3A_40 = arith.constant 0 : i32
    %dma_start3A_41 = arith.constant 0 : i32
    %dma_start3A_42 = tpu.memref_slice %arg6[%dma_start3A_39, %dma_start3A_40, %dma_start3A_41] : memref<8x50x64xf32, #tpu.memory_space<vmem>> -> memref<1x50x64xf32, #tpu.memory_space<vmem>>
    %dma_start3A_43 = tpu.memref_squeeze %dma_start3A_42 : memref<1x50x64xf32, #tpu.memory_space<vmem>> -> memref<50x64xf32, #tpu.memory_space<vmem>>
    %dma_start3A_44 = arith.constant 0 : i32
    %dma_start3A_45 = tpu.memref_slice %arg5[%dma_start3A_38, %dma_start3A_44] : memref<512x50xi32, #tpu.memory_space<vmem>> -> memref<1x50xi32, #tpu.memory_space<vmem>>
    %dma_start3A_46 = tpu.memref_squeeze %dma_start3A_45 : memref<1x50xi32, #tpu.memory_space<vmem>> -> memref<50xi32, #tpu.memory_space<vmem>>
    %dma_start3A_47 = arith.constant 0 : i32
    %dma_start3A_48 = arith.constant 0 : i32
    %dma_start3A_49 = tpu.memref_slice %arg2[%dma_start3A_47, %dma_start3A_48] : memref<1000000x64xf32, #tpu.memory_space<hbm>> -> memref<1000000x64xf32, #tpu.memory_space<hbm>>
    tpu.enqueue_indirect_dma source(%dma_start3A_49 : memref<1000000x64xf32, #tpu.memory_space<hbm>>) target(%dma_start3A_43 : memref<50x64xf32, #tpu.memory_space<vmem>>) offsets(%dma_start3A_46 : memref<50xi32, #tpu.memory_space<vmem>>) semaphore(%arg8 : memref<!tpu.dma_semaphore, #tpu.memory_space<semaphore_mem>>)
    %dma_start3A_50 = arith.constant 4 : i32
    %dma_start3A_51 = arith.constant 4 : i32
    %dma_start3A_52 = arith.constant 0 : i32
    %dma_start3A_53 = arith.constant 0 : i32
    %dma_start3A_54 = tpu.memref_slice %arg6[%dma_start3A_51, %dma_start3A_52, %dma_start3A_53] : memref<8x50x64xf32, #tpu.memory_space<vmem>> -> memref<1x50x64xf32, #tpu.memory_space<vmem>>
    %dma_start3A_55 = tpu.memref_squeeze %dma_start3A_54 : memref<1x50x64xf32, #tpu.memory_space<vmem>> -> memref<50x64xf32, #tpu.memory_space<vmem>>
    %dma_start3A_56 = arith.constant 0 : i32
    %dma_start3A_57 = tpu.memref_slice %arg5[%dma_start3A_50, %dma_start3A_56] : memref<512x50xi32, #tpu.memory_space<vmem>> -> memref<1x50xi32, #tpu.memory_space<vmem>>
    %dma_start3A_58 = tpu.memref_squeeze %dma_start3A_57 : memref<1x50xi32, #tpu.memory_space<vmem>> -> memref<50xi32, #tpu.memory_space<vmem>>
    %dma_start3A_59 = arith.constant 0 : i32
    %dma_start3A_60 = arith.constant 0 : i32
    %dma_start3A_61 = tpu.memref_slice %arg2[%dma_start3A_59, %dma_start3A_60] : memref<1000000x64xf32, #tpu.memory_space<hbm>> -> memref<1000000x64xf32, #tpu.memory_space<hbm>>
    tpu.enqueue_indirect_dma source(%dma_start3A_61 : memref<1000000x64xf32, #tpu.memory_space<hbm>>) target(%dma_start3A_55 : memref<50x64xf32, #tpu.memory_space<vmem>>) offsets(%dma_start3A_58 : memref<50xi32, #tpu.memory_space<vmem>>) semaphore(%arg8 : memref<!tpu.dma_semaphore, #tpu.memory_space<semaphore_mem>>)
    %dma_start3A_62 = arith.constant 5 : i32
    %dma_start3A_63 = arith.constant 5 : i32
    %dma_start3A_64 = arith.constant 0 : i32
    %dma_start3A_65 = arith.constant 0 : i32
    %dma_start3A_66 = tpu.memref_slice %arg6[%dma_start3A_63, %dma_start3A_64, %dma_start3A_65] : memref<8x50x64xf32, #tpu.memory_space<vmem>> -> memref<1x50x64xf32, #tpu.memory_space<vmem>>
    %dma_start3A_67 = tpu.memref_squeeze %dma_start3A_66 : memref<1x50x64xf32, #tpu.memory_space<vmem>> -> memref<50x64xf32, #tpu.memory_space<vmem>>
    %dma_start3A_68 = arith.constant 0 : i32
    %dma_start3A_69 = tpu.memref_slice %arg5[%dma_start3A_62, %dma_start3A_68] : memref<512x50xi32, #tpu.memory_space<vmem>> -> memref<1x50xi32, #tpu.memory_space<vmem>>
    %dma_start3A_70 = tpu.memref_squeeze %dma_start3A_69 : memref<1x50xi32, #tpu.memory_space<vmem>> -> memref<50xi32, #tpu.memory_space<vmem>>
    %dma_start3A_71 = arith.constant 0 : i32
    %dma_start3A_72 = arith.constant 0 : i32
    %dma_start3A_73 = tpu.memref_slice %arg2[%dma_start3A_71, %dma_start3A_72] : memref<1000000x64xf32, #tpu.memory_space<hbm>> -> memref<1000000x64xf32, #tpu.memory_space<hbm>>
    tpu.enqueue_indirect_dma source(%dma_start3A_73 : memref<1000000x64xf32, #tpu.memory_space<hbm>>) target(%dma_start3A_67 : memref<50x64xf32, #tpu.memory_space<vmem>>) offsets(%dma_start3A_70 : memref<50xi32, #tpu.memory_space<vmem>>) semaphore(%arg8 : memref<!tpu.dma_semaphore, #tpu.memory_space<semaphore_mem>>)
    %dma_start3A_74 = arith.constant 6 : i32
    %dma_start3A_75 = arith.constant 6 : i32
    %dma_start3A_76 = arith.constant 0 : i32
    %dma_start3A_77 = arith.constant 0 : i32
    %dma_start3A_78 = tpu.memref_slice %arg6[%dma_start3A_75, %dma_start3A_76, %dma_start3A_77] : memref<8x50x64xf32, #tpu.memory_space<vmem>> -> memref<1x50x64xf32, #tpu.memory_space<vmem>>
    %dma_start3A_79 = tpu.memref_squeeze %dma_start3A_78 : memref<1x50x64xf32, #tpu.memory_space<vmem>> -> memref<50x64xf32, #tpu.memory_space<vmem>>
    %dma_start3A_80 = arith.constant 0 : i32
    %dma_start3A_81 = tpu.memref_slice %arg5[%dma_start3A_74, %dma_start3A_80] : memref<512x50xi32, #tpu.memory_space<vmem>> -> memref<1x50xi32, #tpu.memory_space<vmem>>
    %dma_start3A_82 = tpu.memref_squeeze %dma_start3A_81 : memref<1x50xi32, #tpu.memory_space<vmem>> -> memref<50xi32, #tpu.memory_space<vmem>>
    %dma_start3A_83 = arith.constant 0 : i32
    %dma_start3A_84 = arith.constant 0 : i32
    %dma_start3A_85 = tpu.memref_slice %arg2[%dma_start3A_83, %dma_start3A_84] : memref<1000000x64xf32, #tpu.memory_space<hbm>> -> memref<1000000x64xf32, #tpu.memory_space<hbm>>
    tpu.enqueue_indirect_dma source(%dma_start3A_85 : memref<1000000x64xf32, #tpu.memory_space<hbm>>) target(%dma_start3A_79 : memref<50x64xf32, #tpu.memory_space<vmem>>) offsets(%dma_start3A_82 : memref<50xi32, #tpu.memory_space<vmem>>) semaphore(%arg8 : memref<!tpu.dma_semaphore, #tpu.memory_space<semaphore_mem>>)
    %dma_start3A_86 = arith.constant 7 : i32
    %dma_start3A_87 = arith.constant 7 : i32
    %dma_start3A_88 = arith.constant 0 : i32
    %dma_start3A_89 = arith.constant 0 : i32
    %dma_start3A_90 = tpu.memref_slice %arg6[%dma_start3A_87, %dma_start3A_88, %dma_start3A_89] : memref<8x50x64xf32, #tpu.memory_space<vmem>> -> memref<1x50x64xf32, #tpu.memory_space<vmem>>
    %dma_start3A_91 = tpu.memref_squeeze %dma_start3A_90 : memref<1x50x64xf32, #tpu.memory_space<vmem>> -> memref<50x64xf32, #tpu.memory_space<vmem>>
    %dma_start3A_92 = arith.constant 0 : i32
    %dma_start3A_93 = tpu.memref_slice %arg5[%dma_start3A_86, %dma_start3A_92] : memref<512x50xi32, #tpu.memory_space<vmem>> -> memref<1x50xi32, #tpu.memory_space<vmem>>
    %dma_start3A_94 = tpu.memref_squeeze %dma_start3A_93 : memref<1x50xi32, #tpu.memory_space<vmem>> -> memref<50xi32, #tpu.memory_space<vmem>>
    %dma_start3A_95 = arith.constant 0 : i32
    %dma_start3A_96 = arith.constant 0 : i32
    %dma_start3A_97 = tpu.memref_slice %arg2[%dma_start3A_95, %dma_start3A_96] : memref<1000000x64xf32, #tpu.memory_space<hbm>> -> memref<1000000x64xf32, #tpu.memory_space<hbm>>
    tpu.enqueue_indirect_dma source(%dma_start3A_97 : memref<1000000x64xf32, #tpu.memory_space<hbm>>) target(%dma_start3A_91 : memref<50x64xf32, #tpu.memory_space<vmem>>) offsets(%dma_start3A_94 : memref<50xi32, #tpu.memory_space<vmem>>) semaphore(%arg8 : memref<!tpu.dma_semaphore, #tpu.memory_space<semaphore_mem>>)
    %dma_start3A_98 = arith.constant 8 : i32
    %dma_start3A_99 = arith.constant 0 : i32
    %dma_start3A_100 = arith.constant 0 : i32
    %dma_start3A_101 = arith.constant 0 : i32
    %dma_start3A_102 = tpu.memref_slice %arg7[%dma_start3A_99, %dma_start3A_100, %dma_start3A_101] : memref<8x50x64xf32, #tpu.memory_space<vmem>> -> memref<1x50x64xf32, #tpu.memory_space<vmem>>
    %dma_start3A_103 = tpu.memref_squeeze %dma_start3A_102 : memref<1x50x64xf32, #tpu.memory_space<vmem>> -> memref<50x64xf32, #tpu.memory_space<vmem>>
    %dma_start3A_104 = arith.constant 0 : i32
    %dma_start3A_105 = tpu.memref_slice %arg5[%dma_start3A_98, %dma_start3A_104] : memref<512x50xi32, #tpu.memory_space<vmem>> -> memref<1x50xi32, #tpu.memory_space<vmem>>
    %dma_start3A_106 = tpu.memref_squeeze %dma_start3A_105 : memref<1x50xi32, #tpu.memory_space<vmem>> -> memref<50xi32, #tpu.memory_space<vmem>>
    %dma_start3A_107 = arith.constant 0 : i32
    %dma_start3A_108 = arith.constant 0 : i32
    %dma_start3A_109 = tpu.memref_slice %arg2[%dma_start3A_107, %dma_start3A_108] : memref<1000000x64xf32, #tpu.memory_space<hbm>> -> memref<1000000x64xf32, #tpu.memory_space<hbm>>
    tpu.enqueue_indirect_dma source(%dma_start3A_109 : memref<1000000x64xf32, #tpu.memory_space<hbm>>) target(%dma_start3A_103 : memref<50x64xf32, #tpu.memory_space<vmem>>) offsets(%dma_start3A_106 : memref<50xi32, #tpu.memory_space<vmem>>) semaphore(%arg9 : memref<!tpu.dma_semaphore, #tpu.memory_space<semaphore_mem>>)
    %dma_start3A_110 = arith.constant 9 : i32
    %dma_start3A_111 = arith.constant 1 : i32
    %dma_start3A_112 = arith.constant 0 : i32
    %dma_start3A_113 = arith.constant 0 : i32
    %dma_start3A_114 = tpu.memref_slice %arg7[%dma_start3A_111, %dma_start3A_112, %dma_start3A_113] : memref<8x50x64xf32, #tpu.memory_space<vmem>> -> memref<1x50x64xf32, #tpu.memory_space<vmem>>
    %dma_start3A_115 = tpu.memref_squeeze %dma_start3A_114 : memref<1x50x64xf32, #tpu.memory_space<vmem>> -> memref<50x64xf32, #tpu.memory_space<vmem>>
    %dma_start3A_116 = arith.constant 0 : i32
    %dma_start3A_117 = tpu.memref_slice %arg5[%dma_start3A_110, %dma_start3A_116] : memref<512x50xi32, #tpu.memory_space<vmem>> -> memref<1x50xi32, #tpu.memory_space<vmem>>
    %dma_start3A_118 = tpu.memref_squeeze %dma_start3A_117 : memref<1x50xi32, #tpu.memory_space<vmem>> -> memref<50xi32, #tpu.memory_space<vmem>>
    %dma_start3A_119 = arith.constant 0 : i32
    %dma_start3A_120 = arith.constant 0 : i32
    %dma_start3A_121 = tpu.memref_slice %arg2[%dma_start3A_119, %dma_start3A_120] : memref<1000000x64xf32, #tpu.memory_space<hbm>> -> memref<1000000x64xf32, #tpu.memory_space<hbm>>
    tpu.enqueue_indirect_dma source(%dma_start3A_121 : memref<1000000x64xf32, #tpu.memory_space<hbm>>) target(%dma_start3A_115 : memref<50x64xf32, #tpu.memory_space<vmem>>) offsets(%dma_start3A_118 : memref<50xi32, #tpu.memory_space<vmem>>) semaphore(%arg9 : memref<!tpu.dma_semaphore, #tpu.memory_space<semaphore_mem>>)
    %dma_start3A_122 = arith.constant 10 : i32
    %dma_start3A_123 = arith.constant 2 : i32
    %dma_start3A_124 = arith.constant 0 : i32
    %dma_start3A_125 = arith.constant 0 : i32
    %dma_start3A_126 = tpu.memref_slice %arg7[%dma_start3A_123, %dma_start3A_124, %dma_start3A_125] : memref<8x50x64xf32, #tpu.memory_space<vmem>> -> memref<1x50x64xf32, #tpu.memory_space<vmem>>
    %dma_start3A_127 = tpu.memref_squeeze %dma_start3A_126 : memref<1x50x64xf32, #tpu.memory_space<vmem>> -> memref<50x64xf32, #tpu.memory_space<vmem>>
    %dma_start3A_128 = arith.constant 0 : i32
    %dma_start3A_129 = tpu.memref_slice %arg5[%dma_start3A_122, %dma_start3A_128] : memref<512x50xi32, #tpu.memory_space<vmem>> -> memref<1x50xi32, #tpu.memory_space<vmem>>
    %dma_start3A_130 = tpu.memref_squeeze %dma_start3A_129 : memref<1x50xi32, #tpu.memory_space<vmem>> -> memref<50xi32, #tpu.memory_space<vmem>>
    %dma_start3A_131 = arith.constant 0 : i32
    %dma_start3A_132 = arith.constant 0 : i32
    %dma_start3A_133 = tpu.memref_slice %arg2[%dma_start3A_131, %dma_start3A_132] : memref<1000000x64xf32, #tpu.memory_space<hbm>> -> memref<1000000x64xf32, #tpu.memory_space<hbm>>
    tpu.enqueue_indirect_dma source(%dma_start3A_133 : memref<1000000x64xf32, #tpu.memory_space<hbm>>) target(%dma_start3A_127 : memref<50x64xf32, #tpu.memory_space<vmem>>) offsets(%dma_start3A_130 : memref<50xi32, #tpu.memory_space<vmem>>) semaphore(%arg9 : memref<!tpu.dma_semaphore, #tpu.memory_space<semaphore_mem>>)
    %dma_start3A_134 = arith.constant 11 : i32
    %dma_start3A_135 = arith.constant 3 : i32
    %dma_start3A_136 = arith.constant 0 : i32
    %dma_start3A_137 = arith.constant 0 : i32
    %dma_start3A_138 = tpu.memref_slice %arg7[%dma_start3A_135, %dma_start3A_136, %dma_start3A_137] : memref<8x50x64xf32, #tpu.memory_space<vmem>> -> memref<1x50x64xf32, #tpu.memory_space<vmem>>
    %dma_start3A_139 = tpu.memref_squeeze %dma_start3A_138 : memref<1x50x64xf32, #tpu.memory_space<vmem>> -> memref<50x64xf32, #tpu.memory_space<vmem>>
    %dma_start3A_140 = arith.constant 0 : i32
    %dma_start3A_141 = tpu.memref_slice %arg5[%dma_start3A_134, %dma_start3A_140] : memref<512x50xi32, #tpu.memory_space<vmem>> -> memref<1x50xi32, #tpu.memory_space<vmem>>
    %dma_start3A_142 = tpu.memref_squeeze %dma_start3A_141 : memref<1x50xi32, #tpu.memory_space<vmem>> -> memref<50xi32, #tpu.memory_space<vmem>>
    %dma_start3A_143 = arith.constant 0 : i32
    %dma_start3A_144 = arith.constant 0 : i32
    %dma_start3A_145 = tpu.memref_slice %arg2[%dma_start3A_143, %dma_start3A_144] : memref<1000000x64xf32, #tpu.memory_space<hbm>> -> memref<1000000x64xf32, #tpu.memory_space<hbm>>
    tpu.enqueue_indirect_dma source(%dma_start3A_145 : memref<1000000x64xf32, #tpu.memory_space<hbm>>) target(%dma_start3A_139 : memref<50x64xf32, #tpu.memory_space<vmem>>) offsets(%dma_start3A_142 : memref<50xi32, #tpu.memory_space<vmem>>) semaphore(%arg9 : memref<!tpu.dma_semaphore, #tpu.memory_space<semaphore_mem>>)
    %dma_start3A_146 = arith.constant 12 : i32
    %dma_start3A_147 = arith.constant 4 : i32
    %dma_start3A_148 = arith.constant 0 : i32
    %dma_start3A_149 = arith.constant 0 : i32
    %dma_start3A_150 = tpu.memref_slice %arg7[%dma_start3A_147, %dma_start3A_148, %dma_start3A_149] : memref<8x50x64xf32, #tpu.memory_space<vmem>> -> memref<1x50x64xf32, #tpu.memory_space<vmem>>
    %dma_start3A_151 = tpu.memref_squeeze %dma_start3A_150 : memref<1x50x64xf32, #tpu.memory_space<vmem>> -> memref<50x64xf32, #tpu.memory_space<vmem>>
    %dma_start3A_152 = arith.constant 0 : i32
    %dma_start3A_153 = tpu.memref_slice %arg5[%dma_start3A_146, %dma_start3A_152] : memref<512x50xi32, #tpu.memory_space<vmem>> -> memref<1x50xi32, #tpu.memory_space<vmem>>
    %dma_start3A_154 = tpu.memref_squeeze %dma_start3A_153 : memref<1x50xi32, #tpu.memory_space<vmem>> -> memref<50xi32, #tpu.memory_space<vmem>>
    %dma_start3A_155 = arith.constant 0 : i32
    %dma_start3A_156 = arith.constant 0 : i32
    %dma_start3A_157 = tpu.memref_slice %arg2[%dma_start3A_155, %dma_start3A_156] : memref<1000000x64xf32, #tpu.memory_space<hbm>> -> memref<1000000x64xf32, #tpu.memory_space<hbm>>
    tpu.enqueue_indirect_dma source(%dma_start3A_157 : memref<1000000x64xf32, #tpu.memory_space<hbm>>) target(%dma_start3A_151 : memref<50x64xf32, #tpu.memory_space<vmem>>) offsets(%dma_start3A_154 : memref<50xi32, #tpu.memory_space<vmem>>) semaphore(%arg9 : memref<!tpu.dma_semaphore, #tpu.memory_space<semaphore_mem>>)
    %dma_start3A_158 = arith.constant 13 : i32
    %dma_start3A_159 = arith.constant 5 : i32
    %dma_start3A_160 = arith.constant 0 : i32
    %dma_start3A_161 = arith.constant 0 : i32
    %dma_start3A_162 = tpu.memref_slice %arg7[%dma_start3A_159, %dma_start3A_160, %dma_start3A_161] : memref<8x50x64xf32, #tpu.memory_space<vmem>> -> memref<1x50x64xf32, #tpu.memory_space<vmem>>
    %dma_start3A_163 = tpu.memref_squeeze %dma_start3A_162 : memref<1x50x64xf32, #tpu.memory_space<vmem>> -> memref<50x64xf32, #tpu.memory_space<vmem>>
    %dma_start3A_164 = arith.constant 0 : i32
    %dma_start3A_165 = tpu.memref_slice %arg5[%dma_start3A_158, %dma_start3A_164] : memref<512x50xi32, #tpu.memory_space<vmem>> -> memref<1x50xi32, #tpu.memory_space<vmem>>
    %dma_start3A_166 = tpu.memref_squeeze %dma_start3A_165 : memref<1x50xi32, #tpu.memory_space<vmem>> -> memref<50xi32, #tpu.memory_space<vmem>>
    %dma_start3A_167 = arith.constant 0 : i32
    %dma_start3A_168 = arith.constant 0 : i32
    %dma_start3A_169 = tpu.memref_slice %arg2[%dma_start3A_167, %dma_start3A_168] : memref<1000000x64xf32, #tpu.memory_space<hbm>> -> memref<1000000x64xf32, #tpu.memory_space<hbm>>
    tpu.enqueue_indirect_dma source(%dma_start3A_169 : memref<1000000x64xf32, #tpu.memory_space<hbm>>) target(%dma_start3A_163 : memref<50x64xf32, #tpu.memory_space<vmem>>) offsets(%dma_start3A_166 : memref<50xi32, #tpu.memory_space<vmem>>) semaphore(%arg9 : memref<!tpu.dma_semaphore, #tpu.memory_space<semaphore_mem>>)
    %dma_start3A_170 = arith.constant 14 : i32
    %dma_start3A_171 = arith.constant 6 : i32
    %dma_start3A_172 = arith.constant 0 : i32
    %dma_start3A_173 = arith.constant 0 : i32
    %dma_start3A_174 = tpu.memref_slice %arg7[%dma_start3A_171, %dma_start3A_172, %dma_start3A_173] : memref<8x50x64xf32, #tpu.memory_space<vmem>> -> memref<1x50x64xf32, #tpu.memory_space<vmem>>
    %dma_start3A_175 = tpu.memref_squeeze %dma_start3A_174 : memref<1x50x64xf32, #tpu.memory_space<vmem>> -> memref<50x64xf32, #tpu.memory_space<vmem>>
    %dma_start3A_176 = arith.constant 0 : i32
    %dma_start3A_177 = tpu.memref_slice %arg5[%dma_start3A_170, %dma_start3A_176] : memref<512x50xi32, #tpu.memory_space<vmem>> -> memref<1x50xi32, #tpu.memory_space<vmem>>
    %dma_start3A_178 = tpu.memref_squeeze %dma_start3A_177 : memref<1x50xi32, #tpu.memory_space<vmem>> -> memref<50xi32, #tpu.memory_space<vmem>>
    %dma_start3A_179 = arith.constant 0 : i32
    %dma_start3A_180 = arith.constant 0 : i32
    %dma_start3A_181 = tpu.memref_slice %arg2[%dma_start3A_179, %dma_start3A_180] : memref<1000000x64xf32, #tpu.memory_space<hbm>> -> memref<1000000x64xf32, #tpu.memory_space<hbm>>
    tpu.enqueue_indirect_dma source(%dma_start3A_181 : memref<1000000x64xf32, #tpu.memory_space<hbm>>) target(%dma_start3A_175 : memref<50x64xf32, #tpu.memory_space<vmem>>) offsets(%dma_start3A_178 : memref<50xi32, #tpu.memory_space<vmem>>) semaphore(%arg9 : memref<!tpu.dma_semaphore, #tpu.memory_space<semaphore_mem>>)
    %dma_start3A_182 = arith.constant 15 : i32
    %dma_start3A_183 = arith.constant 7 : i32
    %dma_start3A_184 = arith.constant 0 : i32
    %dma_start3A_185 = arith.constant 0 : i32
    %dma_start3A_186 = tpu.memref_slice %arg7[%dma_start3A_183, %dma_start3A_184, %dma_start3A_185] : memref<8x50x64xf32, #tpu.memory_space<vmem>> -> memref<1x50x64xf32, #tpu.memory_space<vmem>>
    %dma_start3A_187 = tpu.memref_squeeze %dma_start3A_186 : memref<1x50x64xf32, #tpu.memory_space<vmem>> -> memref<50x64xf32, #tpu.memory_space<vmem>>
    %dma_start3A_188 = arith.constant 0 : i32
    %dma_start3A_189 = tpu.memref_slice %arg5[%dma_start3A_182, %dma_start3A_188] : memref<512x50xi32, #tpu.memory_space<vmem>> -> memref<1x50xi32, #tpu.memory_space<vmem>>
    %dma_start3A_190 = tpu.memref_squeeze %dma_start3A_189 : memref<1x50xi32, #tpu.memory_space<vmem>> -> memref<50xi32, #tpu.memory_space<vmem>>
    %dma_start3A_191 = arith.constant 0 : i32
    %dma_start3A_192 = arith.constant 0 : i32
    %dma_start3A_193 = tpu.memref_slice %arg2[%dma_start3A_191, %dma_start3A_192] : memref<1000000x64xf32, #tpu.memory_space<hbm>> -> memref<1000000x64xf32, #tpu.memory_space<hbm>>
    tpu.enqueue_indirect_dma source(%dma_start3A_193 : memref<1000000x64xf32, #tpu.memory_space<hbm>>) target(%dma_start3A_187 : memref<50x64xf32, #tpu.memory_space<vmem>>) offsets(%dma_start3A_190 : memref<50xi32, #tpu.memory_space<vmem>>) semaphore(%arg9 : memref<!tpu.dma_semaphore, #tpu.memory_space<semaphore_mem>>)
    %dma_wait3A = arith.constant 0 : i32
    %dma_wait3A_194 = arith.constant 0 : i32
    %dma_wait3A_195 = arith.constant 0 : i32
    %dma_wait3A_196 = arith.constant 0 : i32
    %dma_wait3A_197 = tpu.memref_slice %arg6[%dma_wait3A_194, %dma_wait3A_195, %dma_wait3A_196] : memref<8x50x64xf32, #tpu.memory_space<vmem>> -> memref<1x50x64xf32, #tpu.memory_space<vmem>>
    %dma_wait3A_198 = tpu.memref_squeeze %dma_wait3A_197 : memref<1x50x64xf32, #tpu.memory_space<vmem>> -> memref<50x64xf32, #tpu.memory_space<vmem>>
    %dma_wait3A_199 = arith.constant 0 : i32
    %dma_wait3A_200 = tpu.memref_slice %arg5[%dma_wait3A, %dma_wait3A_199] : memref<512x50xi32, #tpu.memory_space<vmem>> -> memref<1x50xi32, #tpu.memory_space<vmem>>
    %dma_wait3A_201 = tpu.memref_squeeze %dma_wait3A_200 : memref<1x50xi32, #tpu.memory_space<vmem>> -> memref<50xi32, #tpu.memory_space<vmem>>
    %dma_wait3A_202 = arith.constant 0 : i32
    %dma_wait3A_203 = arith.constant 0 : i32
    %dma_wait3A_204 = tpu.memref_slice %arg2[%dma_wait3A_202, %dma_wait3A_203] : memref<1000000x64xf32, #tpu.memory_space<hbm>> -> memref<1000000x64xf32, #tpu.memory_space<hbm>>
    tpu.wait_indirect_dma semaphore(%arg8 : memref<!tpu.dma_semaphore, #tpu.memory_space<semaphore_mem>>) src(%dma_wait3A_204 : memref<1000000x64xf32, #tpu.memory_space<hbm>>) dst(%dma_wait3A_198 : memref<50x64xf32, #tpu.memory_space<vmem>>)
    %dma_wait3A_205 = arith.constant 1 : i32
    %dma_wait3A_206 = arith.constant 1 : i32
    %dma_wait3A_207 = arith.constant 0 : i32
    %dma_wait3A_208 = arith.constant 0 : i32
    %dma_wait3A_209 = tpu.memref_slice %arg6[%dma_wait3A_206, %dma_wait3A_207, %dma_wait3A_208] : memref<8x50x64xf32, #tpu.memory_space<vmem>> -> memref<1x50x64xf32, #tpu.memory_space<vmem>>
    %dma_wait3A_210 = tpu.memref_squeeze %dma_wait3A_209 : memref<1x50x64xf32, #tpu.memory_space<vmem>> -> memref<50x64xf32, #tpu.memory_space<vmem>>
    %dma_wait3A_211 = arith.constant 0 : i32
    %dma_wait3A_212 = tpu.memref_slice %arg5[%dma_wait3A_205, %dma_wait3A_211] : memref<512x50xi32, #tpu.memory_space<vmem>> -> memref<1x50xi32, #tpu.memory_space<vmem>>
    %dma_wait3A_213 = tpu.memref_squeeze %dma_wait3A_212 : memref<1x50xi32, #tpu.memory_space<vmem>> -> memref<50xi32, #tpu.memory_space<vmem>>
    %dma_wait3A_214 = arith.constant 0 : i32
    %dma_wait3A_215 = arith.constant 0 : i32
    %dma_wait3A_216 = tpu.memref_slice %arg2[%dma_wait3A_214, %dma_wait3A_215] : memref<1000000x64xf32, #tpu.memory_space<hbm>> -> memref<1000000x64xf32, #tpu.memory_space<hbm>>
    tpu.wait_indirect_dma semaphore(%arg8 : memref<!tpu.dma_semaphore, #tpu.memory_space<semaphore_mem>>) src(%dma_wait3A_216 : memref<1000000x64xf32, #tpu.memory_space<hbm>>) dst(%dma_wait3A_210 : memref<50x64xf32, #tpu.memory_space<vmem>>)
    %dma_wait3A_217 = arith.constant 2 : i32
    %dma_wait3A_218 = arith.constant 2 : i32
    %dma_wait3A_219 = arith.constant 0 : i32
    %dma_wait3A_220 = arith.constant 0 : i32
    %dma_wait3A_221 = tpu.memref_slice %arg6[%dma_wait3A_218, %dma_wait3A_219, %dma_wait3A_220] : memref<8x50x64xf32, #tpu.memory_space<vmem>> -> memref<1x50x64xf32, #tpu.memory_space<vmem>>
    %dma_wait3A_222 = tpu.memref_squeeze %dma_wait3A_221 : memref<1x50x64xf32, #tpu.memory_space<vmem>> -> memref<50x64xf32, #tpu.memory_space<vmem>>
    %dma_wait3A_223 = arith.constant 0 : i32
    %dma_wait3A_224 = tpu.memref_slice %arg5[%dma_wait3A_217, %dma_wait3A_223] : memref<512x50xi32, #tpu.memory_space<vmem>> -> memref<1x50xi32, #tpu.memory_space<vmem>>
    %dma_wait3A_225 = tpu.memref_squeeze %dma_wait3A_224 : memref<1x50xi32, #tpu.memory_space<vmem>> -> memref<50xi32, #tpu.memory_space<vmem>>
    %dma_wait3A_226 = arith.constant 0 : i32
    %dma_wait3A_227 = arith.constant 0 : i32
    %dma_wait3A_228 = tpu.memref_slice %arg2[%dma_wait3A_226, %dma_wait3A_227] : memref<1000000x64xf32, #tpu.memory_space<hbm>> -> memref<1000000x64xf32, #tpu.memory_space<hbm>>
    tpu.wait_indirect_dma semaphore(%arg8 : memref<!tpu.dma_semaphore, #tpu.memory_space<semaphore_mem>>) src(%dma_wait3A_228 : memref<1000000x64xf32, #tpu.memory_space<hbm>>) dst(%dma_wait3A_222 : memref<50x64xf32, #tpu.memory_space<vmem>>)
    %dma_wait3A_229 = arith.constant 3 : i32
    %dma_wait3A_230 = arith.constant 3 : i32
    %dma_wait3A_231 = arith.constant 0 : i32
    %dma_wait3A_232 = arith.constant 0 : i32
    %dma_wait3A_233 = tpu.memref_slice %arg6[%dma_wait3A_230, %dma_wait3A_231, %dma_wait3A_232] : memref<8x50x64xf32, #tpu.memory_space<vmem>> -> memref<1x50x64xf32, #tpu.memory_space<vmem>>
    %dma_wait3A_234 = tpu.memref_squeeze %dma_wait3A_233 : memref<1x50x64xf32, #tpu.memory_space<vmem>> -> memref<50x64xf32, #tpu.memory_space<vmem>>
    %dma_wait3A_235 = arith.constant 0 : i32
    %dma_wait3A_236 = tpu.memref_slice %arg5[%dma_wait3A_229, %dma_wait3A_235] : memref<512x50xi32, #tpu.memory_space<vmem>> -> memref<1x50xi32, #tpu.memory_space<vmem>>
    %dma_wait3A_237 = tpu.memref_squeeze %dma_wait3A_236 : memref<1x50xi32, #tpu.memory_space<vmem>> -> memref<50xi32, #tpu.memory_space<vmem>>
    %dma_wait3A_238 = arith.constant 0 : i32
    %dma_wait3A_239 = arith.constant 0 : i32
    %dma_wait3A_240 = tpu.memref_slice %arg2[%dma_wait3A_238, %dma_wait3A_239] : memref<1000000x64xf32, #tpu.memory_space<hbm>> -> memref<1000000x64xf32, #tpu.memory_space<hbm>>
    tpu.wait_indirect_dma semaphore(%arg8 : memref<!tpu.dma_semaphore, #tpu.memory_space<semaphore_mem>>) src(%dma_wait3A_240 : memref<1000000x64xf32, #tpu.memory_space<hbm>>) dst(%dma_wait3A_234 : memref<50x64xf32, #tpu.memory_space<vmem>>)
    %dma_wait3A_241 = arith.constant 4 : i32
    %dma_wait3A_242 = arith.constant 4 : i32
    %dma_wait3A_243 = arith.constant 0 : i32
    %dma_wait3A_244 = arith.constant 0 : i32
    %dma_wait3A_245 = tpu.memref_slice %arg6[%dma_wait3A_242, %dma_wait3A_243, %dma_wait3A_244] : memref<8x50x64xf32, #tpu.memory_space<vmem>> -> memref<1x50x64xf32, #tpu.memory_space<vmem>>
    %dma_wait3A_246 = tpu.memref_squeeze %dma_wait3A_245 : memref<1x50x64xf32, #tpu.memory_space<vmem>> -> memref<50x64xf32, #tpu.memory_space<vmem>>
    %dma_wait3A_247 = arith.constant 0 : i32
    %dma_wait3A_248 = tpu.memref_slice %arg5[%dma_wait3A_241, %dma_wait3A_247] : memref<512x50xi32, #tpu.memory_space<vmem>> -> memref<1x50xi32, #tpu.memory_space<vmem>>
    %dma_wait3A_249 = tpu.memref_squeeze %dma_wait3A_248 : memref<1x50xi32, #tpu.memory_space<vmem>> -> memref<50xi32, #tpu.memory_space<vmem>>
    %dma_wait3A_250 = arith.constant 0 : i32
    %dma_wait3A_251 = arith.constant 0 : i32
    %dma_wait3A_252 = tpu.memref_slice %arg2[%dma_wait3A_250, %dma_wait3A_251] : memref<1000000x64xf32, #tpu.memory_space<hbm>> -> memref<1000000x64xf32, #tpu.memory_space<hbm>>
    tpu.wait_indirect_dma semaphore(%arg8 : memref<!tpu.dma_semaphore, #tpu.memory_space<semaphore_mem>>) src(%dma_wait3A_252 : memref<1000000x64xf32, #tpu.memory_space<hbm>>) dst(%dma_wait3A_246 : memref<50x64xf32, #tpu.memory_space<vmem>>)
    %dma_wait3A_253 = arith.constant 5 : i32
    %dma_wait3A_254 = arith.constant 5 : i32
    %dma_wait3A_255 = arith.constant 0 : i32
    %dma_wait3A_256 = arith.constant 0 : i32
    %dma_wait3A_257 = tpu.memref_slice %arg6[%dma_wait3A_254, %dma_wait3A_255, %dma_wait3A_256] : memref<8x50x64xf32, #tpu.memory_space<vmem>> -> memref<1x50x64xf32, #tpu.memory_space<vmem>>
    %dma_wait3A_258 = tpu.memref_squeeze %dma_wait3A_257 : memref<1x50x64xf32, #tpu.memory_space<vmem>> -> memref<50x64xf32, #tpu.memory_space<vmem>>
    %dma_wait3A_259 = arith.constant 0 : i32
    %dma_wait3A_260 = tpu.memref_slice %arg5[%dma_wait3A_253, %dma_wait3A_259] : memref<512x50xi32, #tpu.memory_space<vmem>> -> memref<1x50xi32, #tpu.memory_space<vmem>>
    %dma_wait3A_261 = tpu.memref_squeeze %dma_wait3A_260 : memref<1x50xi32, #tpu.memory_space<vmem>> -> memref<50xi32, #tpu.memory_space<vmem>>
    %dma_wait3A_262 = arith.constant 0 : i32
    %dma_wait3A_263 = arith.constant 0 : i32
    %dma_wait3A_264 = tpu.memref_slice %arg2[%dma_wait3A_262, %dma_wait3A_263] : memref<1000000x64xf32, #tpu.memory_space<hbm>> -> memref<1000000x64xf32, #tpu.memory_space<hbm>>
    tpu.wait_indirect_dma semaphore(%arg8 : memref<!tpu.dma_semaphore, #tpu.memory_space<semaphore_mem>>) src(%dma_wait3A_264 : memref<1000000x64xf32, #tpu.memory_space<hbm>>) dst(%dma_wait3A_258 : memref<50x64xf32, #tpu.memory_space<vmem>>)
    %dma_wait3A_265 = arith.constant 6 : i32
    %dma_wait3A_266 = arith.constant 6 : i32
    %dma_wait3A_267 = arith.constant 0 : i32
    %dma_wait3A_268 = arith.constant 0 : i32
    %dma_wait3A_269 = tpu.memref_slice %arg6[%dma_wait3A_266, %dma_wait3A_267, %dma_wait3A_268] : memref<8x50x64xf32, #tpu.memory_space<vmem>> -> memref<1x50x64xf32, #tpu.memory_space<vmem>>
    %dma_wait3A_270 = tpu.memref_squeeze %dma_wait3A_269 : memref<1x50x64xf32, #tpu.memory_space<vmem>> -> memref<50x64xf32, #tpu.memory_space<vmem>>
    %dma_wait3A_271 = arith.constant 0 : i32
    %dma_wait3A_272 = tpu.memref_slice %arg5[%dma_wait3A_265, %dma_wait3A_271] : memref<512x50xi32, #tpu.memory_space<vmem>> -> memref<1x50xi32, #tpu.memory_space<vmem>>
    %dma_wait3A_273 = tpu.memref_squeeze %dma_wait3A_272 : memref<1x50xi32, #tpu.memory_space<vmem>> -> memref<50xi32, #tpu.memory_space<vmem>>
    %dma_wait3A_274 = arith.constant 0 : i32
    %dma_wait3A_275 = arith.constant 0 : i32
    %dma_wait3A_276 = tpu.memref_slice %arg2[%dma_wait3A_274, %dma_wait3A_275] : memref<1000000x64xf32, #tpu.memory_space<hbm>> -> memref<1000000x64xf32, #tpu.memory_space<hbm>>
    tpu.wait_indirect_dma semaphore(%arg8 : memref<!tpu.dma_semaphore, #tpu.memory_space<semaphore_mem>>) src(%dma_wait3A_276 : memref<1000000x64xf32, #tpu.memory_space<hbm>>) dst(%dma_wait3A_270 : memref<50x64xf32, #tpu.memory_space<vmem>>)
    %dma_wait3A_277 = arith.constant 7 : i32
    %dma_wait3A_278 = arith.constant 7 : i32
    %dma_wait3A_279 = arith.constant 0 : i32
    %dma_wait3A_280 = arith.constant 0 : i32
    %dma_wait3A_281 = tpu.memref_slice %arg6[%dma_wait3A_278, %dma_wait3A_279, %dma_wait3A_280] : memref<8x50x64xf32, #tpu.memory_space<vmem>> -> memref<1x50x64xf32, #tpu.memory_space<vmem>>
    %dma_wait3A_282 = tpu.memref_squeeze %dma_wait3A_281 : memref<1x50x64xf32, #tpu.memory_space<vmem>> -> memref<50x64xf32, #tpu.memory_space<vmem>>
    %dma_wait3A_283 = arith.constant 0 : i32
    %dma_wait3A_284 = tpu.memref_slice %arg5[%dma_wait3A_277, %dma_wait3A_283] : memref<512x50xi32, #tpu.memory_space<vmem>> -> memref<1x50xi32, #tpu.memory_space<vmem>>
    %dma_wait3A_285 = tpu.memref_squeeze %dma_wait3A_284 : memref<1x50xi32, #tpu.memory_space<vmem>> -> memref<50xi32, #tpu.memory_space<vmem>>
    %dma_wait3A_286 = arith.constant 0 : i32
    %dma_wait3A_287 = arith.constant 0 : i32
    %dma_wait3A_288 = tpu.memref_slice %arg2[%dma_wait3A_286, %dma_wait3A_287] : memref<1000000x64xf32, #tpu.memory_space<hbm>> -> memref<1000000x64xf32, #tpu.memory_space<hbm>>
    tpu.wait_indirect_dma semaphore(%arg8 : memref<!tpu.dma_semaphore, #tpu.memory_space<semaphore_mem>>) src(%dma_wait3A_288 : memref<1000000x64xf32, #tpu.memory_space<hbm>>) dst(%dma_wait3A_282 : memref<50x64xf32, #tpu.memory_space<vmem>>)
    %add3A_289 = arith.constant 0 : i32
    %add3A_290 = arith.addi %mul3A_2, %add3A_289 : i32
    %dma_start3A_291 = arith.constant 0 : i32
    %dma_start3A_292 = arith.constant 0 : i32
    %dma_start3A_293 = tpu.memref_slice %arg4[%add3A_290, %dma_start3A_291, %dma_start3A_292] : memref<16384x50x64xf32, #tpu.memory_space<hbm>> -> memref<8x50x64xf32, #tpu.memory_space<hbm>>
    %dma_start3A_294 = arith.constant 0 : i32
    %dma_start3A_295 = arith.constant 0 : i32
    %dma_start3A_296 = tpu.memref_slice %arg4[%add3A_290, %dma_start3A_294, %dma_start3A_295] : memref<16384x50x64xf32, #tpu.memory_space<hbm>> -> memref<8x50x64xf32, #tpu.memory_space<hbm>>
    tpu.enqueue_dma source(%arg6 : memref<8x50x64xf32, #tpu.memory_space<vmem>>) target(%dma_start3A_296 : memref<8x50x64xf32, #tpu.memory_space<hbm>>) target_semaphore(%arg10 : memref<!tpu.dma_semaphore, #tpu.memory_space<semaphore_mem>>)
    %dma_wait3A_297 = arith.constant 8 : i32
    %dma_wait3A_298 = arith.constant 0 : i32
    %dma_wait3A_299 = arith.constant 0 : i32
    %dma_wait3A_300 = arith.constant 0 : i32
    %dma_wait3A_301 = tpu.memref_slice %arg7[%dma_wait3A_298, %dma_wait3A_299, %dma_wait3A_300] : memref<8x50x64xf32, #tpu.memory_space<vmem>> -> memref<1x50x64xf32, #tpu.memory_space<vmem>>
    %dma_wait3A_302 = tpu.memref_squeeze %dma_wait3A_301 : memref<1x50x64xf32, #tpu.memory_space<vmem>> -> memref<50x64xf32, #tpu.memory_space<vmem>>
    %dma_wait3A_303 = arith.constant 0 : i32
    %dma_wait3A_304 = tpu.memref_slice %arg5[%dma_wait3A_297, %dma_wait3A_303] : memref<512x50xi32, #tpu.memory_space<vmem>> -> memref<1x50xi32, #tpu.memory_space<vmem>>
    %dma_wait3A_305 = tpu.memref_squeeze %dma_wait3A_304 : memref<1x50xi32, #tpu.memory_space<vmem>> -> memref<50xi32, #tpu.memory_space<vmem>>
    %dma_wait3A_306 = arith.constant 0 : i32
    %dma_wait3A_307 = arith.constant 0 : i32
    %dma_wait3A_308 = tpu.memref_slice %arg2[%dma_wait3A_306, %dma_wait3A_307] : memref<1000000x64xf32, #tpu.memory_space<hbm>> -> memref<1000000x64xf32, #tpu.memory_space<hbm>>
    tpu.wait_indirect_dma semaphore(%arg9 : memref<!tpu.dma_semaphore, #tpu.memory_space<semaphore_mem>>) src(%dma_wait3A_308 : memref<1000000x64xf32, #tpu.memory_space<hbm>>) dst(%dma_wait3A_302 : memref<50x64xf32, #tpu.memory_space<vmem>>)
    %dma_wait3A_309 = arith.constant 9 : i32
    %dma_wait3A_310 = arith.constant 1 : i32
    %dma_wait3A_311 = arith.constant 0 : i32
    %dma_wait3A_312 = arith.constant 0 : i32
    %dma_wait3A_313 = tpu.memref_slice %arg7[%dma_wait3A_310, %dma_wait3A_311, %dma_wait3A_312] : memref<8x50x64xf32, #tpu.memory_space<vmem>> -> memref<1x50x64xf32, #tpu.memory_space<vmem>>
    %dma_wait3A_314 = tpu.memref_squeeze %dma_wait3A_313 : memref<1x50x64xf32, #tpu.memory_space<vmem>> -> memref<50x64xf32, #tpu.memory_space<vmem>>
    %dma_wait3A_315 = arith.constant 0 : i32
    %dma_wait3A_316 = tpu.memref_slice %arg5[%dma_wait3A_309, %dma_wait3A_315] : memref<512x50xi32, #tpu.memory_space<vmem>> -> memref<1x50xi32, #tpu.memory_space<vmem>>
    %dma_wait3A_317 = tpu.memref_squeeze %dma_wait3A_316 : memref<1x50xi32, #tpu.memory_space<vmem>> -> memref<50xi32, #tpu.memory_space<vmem>>
    %dma_wait3A_318 = arith.constant 0 : i32
    %dma_wait3A_319 = arith.constant 0 : i32
    %dma_wait3A_320 = tpu.memref_slice %arg2[%dma_wait3A_318, %dma_wait3A_319] : memref<1000000x64xf32, #tpu.memory_space<hbm>> -> memref<1000000x64xf32, #tpu.memory_space<hbm>>
    tpu.wait_indirect_dma semaphore(%arg9 : memref<!tpu.dma_semaphore, #tpu.memory_space<semaphore_mem>>) src(%dma_wait3A_320 : memref<1000000x64xf32, #tpu.memory_space<hbm>>) dst(%dma_wait3A_314 : memref<50x64xf32, #tpu.memory_space<vmem>>)
    %dma_wait3A_321 = arith.constant 10 : i32
    %dma_wait3A_322 = arith.constant 2 : i32
    %dma_wait3A_323 = arith.constant 0 : i32
    %dma_wait3A_324 = arith.constant 0 : i32
    %dma_wait3A_325 = tpu.memref_slice %arg7[%dma_wait3A_322, %dma_wait3A_323, %dma_wait3A_324] : memref<8x50x64xf32, #tpu.memory_space<vmem>> -> memref<1x50x64xf32, #tpu.memory_space<vmem>>
    %dma_wait3A_326 = tpu.memref_squeeze %dma_wait3A_325 : memref<1x50x64xf32, #tpu.memory_space<vmem>> -> memref<50x64xf32, #tpu.memory_space<vmem>>
    %dma_wait3A_327 = arith.constant 0 : i32
    %dma_wait3A_328 = tpu.memref_slice %arg5[%dma_wait3A_321, %dma_wait3A_327] : memref<512x50xi32, #tpu.memory_space<vmem>> -> memref<1x50xi32, #tpu.memory_space<vmem>>
    %dma_wait3A_329 = tpu.memref_squeeze %dma_wait3A_328 : memref<1x50xi32, #tpu.memory_space<vmem>> -> memref<50xi32, #tpu.memory_space<vmem>>
    %dma_wait3A_330 = arith.constant 0 : i32
    %dma_wait3A_331 = arith.constant 0 : i32
    %dma_wait3A_332 = tpu.memref_slice %arg2[%dma_wait3A_330, %dma_wait3A_331] : memref<1000000x64xf32, #tpu.memory_space<hbm>> -> memref<1000000x64xf32, #tpu.memory_space<hbm>>
    tpu.wait_indirect_dma semaphore(%arg9 : memref<!tpu.dma_semaphore, #tpu.memory_space<semaphore_mem>>) src(%dma_wait3A_332 : memref<1000000x64xf32, #tpu.memory_space<hbm>>) dst(%dma_wait3A_326 : memref<50x64xf32, #tpu.memory_space<vmem>>)
    %dma_wait3A_333 = arith.constant 11 : i32
    %dma_wait3A_334 = arith.constant 3 : i32
    %dma_wait3A_335 = arith.constant 0 : i32
    %dma_wait3A_336 = arith.constant 0 : i32
    %dma_wait3A_337 = tpu.memref_slice %arg7[%dma_wait3A_334, %dma_wait3A_335, %dma_wait3A_336] : memref<8x50x64xf32, #tpu.memory_space<vmem>> -> memref<1x50x64xf32, #tpu.memory_space<vmem>>
    %dma_wait3A_338 = tpu.memref_squeeze %dma_wait3A_337 : memref<1x50x64xf32, #tpu.memory_space<vmem>> -> memref<50x64xf32, #tpu.memory_space<vmem>>
    %dma_wait3A_339 = arith.constant 0 : i32
    %dma_wait3A_340 = tpu.memref_slice %arg5[%dma_wait3A_333, %dma_wait3A_339] : memref<512x50xi32, #tpu.memory_space<vmem>> -> memref<1x50xi32, #tpu.memory_space<vmem>>
    %dma_wait3A_341 = tpu.memref_squeeze %dma_wait3A_340 : memref<1x50xi32, #tpu.memory_space<vmem>> -> memref<50xi32, #tpu.memory_space<vmem>>
    %dma_wait3A_342 = arith.constant 0 : i32
    %dma_wait3A_343 = arith.constant 0 : i32
    %dma_wait3A_344 = tpu.memref_slice %arg2[%dma_wait3A_342, %dma_wait3A_343] : memref<1000000x64xf32, #tpu.memory_space<hbm>> -> memref<1000000x64xf32, #tpu.memory_space<hbm>>
    tpu.wait_indirect_dma semaphore(%arg9 : memref<!tpu.dma_semaphore, #tpu.memory_space<semaphore_mem>>) src(%dma_wait3A_344 : memref<1000000x64xf32, #tpu.memory_space<hbm>>) dst(%dma_wait3A_338 : memref<50x64xf32, #tpu.memory_space<vmem>>)
    %dma_wait3A_345 = arith.constant 12 : i32
    %dma_wait3A_346 = arith.constant 4 : i32
    %dma_wait3A_347 = arith.constant 0 : i32
    %dma_wait3A_348 = arith.constant 0 : i32
    %dma_wait3A_349 = tpu.memref_slice %arg7[%dma_wait3A_346, %dma_wait3A_347, %dma_wait3A_348] : memref<8x50x64xf32, #tpu.memory_space<vmem>> -> memref<1x50x64xf32, #tpu.memory_space<vmem>>
    %dma_wait3A_350 = tpu.memref_squeeze %dma_wait3A_349 : memref<1x50x64xf32, #tpu.memory_space<vmem>> -> memref<50x64xf32, #tpu.memory_space<vmem>>
    %dma_wait3A_351 = arith.constant 0 : i32
    %dma_wait3A_352 = tpu.memref_slice %arg5[%dma_wait3A_345, %dma_wait3A_351] : memref<512x50xi32, #tpu.memory_space<vmem>> -> memref<1x50xi32, #tpu.memory_space<vmem>>
    %dma_wait3A_353 = tpu.memref_squeeze %dma_wait3A_352 : memref<1x50xi32, #tpu.memory_space<vmem>> -> memref<50xi32, #tpu.memory_space<vmem>>
    %dma_wait3A_354 = arith.constant 0 : i32
    %dma_wait3A_355 = arith.constant 0 : i32
    %dma_wait3A_356 = tpu.memref_slice %arg2[%dma_wait3A_354, %dma_wait3A_355] : memref<1000000x64xf32, #tpu.memory_space<hbm>> -> memref<1000000x64xf32, #tpu.memory_space<hbm>>
    tpu.wait_indirect_dma semaphore(%arg9 : memref<!tpu.dma_semaphore, #tpu.memory_space<semaphore_mem>>) src(%dma_wait3A_356 : memref<1000000x64xf32, #tpu.memory_space<hbm>>) dst(%dma_wait3A_350 : memref<50x64xf32, #tpu.memory_space<vmem>>)
    %dma_wait3A_357 = arith.constant 13 : i32
    %dma_wait3A_358 = arith.constant 5 : i32
    %dma_wait3A_359 = arith.constant 0 : i32
    %dma_wait3A_360 = arith.constant 0 : i32
    %dma_wait3A_361 = tpu.memref_slice %arg7[%dma_wait3A_358, %dma_wait3A_359, %dma_wait3A_360] : memref<8x50x64xf32, #tpu.memory_space<vmem>> -> memref<1x50x64xf32, #tpu.memory_space<vmem>>
    %dma_wait3A_362 = tpu.memref_squeeze %dma_wait3A_361 : memref<1x50x64xf32, #tpu.memory_space<vmem>> -> memref<50x64xf32, #tpu.memory_space<vmem>>
    %dma_wait3A_363 = arith.constant 0 : i32
    %dma_wait3A_364 = tpu.memref_slice %arg5[%dma_wait3A_357, %dma_wait3A_363] : memref<512x50xi32, #tpu.memory_space<vmem>> -> memref<1x50xi32, #tpu.memory_space<vmem>>
    %dma_wait3A_365 = tpu.memref_squeeze %dma_wait3A_364 : memref<1x50xi32, #tpu.memory_space<vmem>> -> memref<50xi32, #tpu.memory_space<vmem>>
    %dma_wait3A_366 = arith.constant 0 : i32
    %dma_wait3A_367 = arith.constant 0 : i32
    %dma_wait3A_368 = tpu.memref_slice %arg2[%dma_wait3A_366, %dma_wait3A_367] : memref<1000000x64xf32, #tpu.memory_space<hbm>> -> memref<1000000x64xf32, #tpu.memory_space<hbm>>
    tpu.wait_indirect_dma semaphore(%arg9 : memref<!tpu.dma_semaphore, #tpu.memory_space<semaphore_mem>>) src(%dma_wait3A_368 : memref<1000000x64xf32, #tpu.memory_space<hbm>>) dst(%dma_wait3A_362 : memref<50x64xf32, #tpu.memory_space<vmem>>)
    %dma_wait3A_369 = arith.constant 14 : i32
    %dma_wait3A_370 = arith.constant 6 : i32
    %dma_wait3A_371 = arith.constant 0 : i32
    %dma_wait3A_372 = arith.constant 0 : i32
    %dma_wait3A_373 = tpu.memref_slice %arg7[%dma_wait3A_370, %dma_wait3A_371, %dma_wait3A_372] : memref<8x50x64xf32, #tpu.memory_space<vmem>> -> memref<1x50x64xf32, #tpu.memory_space<vmem>>
    %dma_wait3A_374 = tpu.memref_squeeze %dma_wait3A_373 : memref<1x50x64xf32, #tpu.memory_space<vmem>> -> memref<50x64xf32, #tpu.memory_space<vmem>>
    %dma_wait3A_375 = arith.constant 0 : i32
    %dma_wait3A_376 = tpu.memref_slice %arg5[%dma_wait3A_369, %dma_wait3A_375] : memref<512x50xi32, #tpu.memory_space<vmem>> -> memref<1x50xi32, #tpu.memory_space<vmem>>
    %dma_wait3A_377 = tpu.memref_squeeze %dma_wait3A_376 : memref<1x50xi32, #tpu.memory_space<vmem>> -> memref<50xi32, #tpu.memory_space<vmem>>
    %dma_wait3A_378 = arith.constant 0 : i32
    %dma_wait3A_379 = arith.constant 0 : i32
    %dma_wait3A_380 = tpu.memref_slice %arg2[%dma_wait3A_378, %dma_wait3A_379] : memref<1000000x64xf32, #tpu.memory_space<hbm>> -> memref<1000000x64xf32, #tpu.memory_space<hbm>>
    tpu.wait_indirect_dma semaphore(%arg9 : memref<!tpu.dma_semaphore, #tpu.memory_space<semaphore_mem>>) src(%dma_wait3A_380 : memref<1000000x64xf32, #tpu.memory_space<hbm>>) dst(%dma_wait3A_374 : memref<50x64xf32, #tpu.memory_space<vmem>>)
    %dma_wait3A_381 = arith.constant 15 : i32
    %dma_wait3A_382 = arith.constant 7 : i32
    %dma_wait3A_383 = arith.constant 0 : i32
    %dma_wait3A_384 = arith.constant 0 : i32
    %dma_wait3A_385 = tpu.memref_slice %arg7[%dma_wait3A_382, %dma_wait3A_383, %dma_wait3A_384] : memref<8x50x64xf32, #tpu.memory_space<vmem>> -> memref<1x50x64xf32, #tpu.memory_space<vmem>>
    %dma_wait3A_386 = tpu.memref_squeeze %dma_wait3A_385 : memref<1x50x64xf32, #tpu.memory_space<vmem>> -> memref<50x64xf32, #tpu.memory_space<vmem>>
    %dma_wait3A_387 = arith.constant 0 : i32
    %dma_wait3A_388 = tpu.memref_slice %arg5[%dma_wait3A_381, %dma_wait3A_387] : memref<512x50xi32, #tpu.memory_space<vmem>> -> memref<1x50xi32, #tpu.memory_space<vmem>>
    %dma_wait3A_389 = tpu.memref_squeeze %dma_wait3A_388 : memref<1x50xi32, #tpu.memory_space<vmem>> -> memref<50xi32, #tpu.memory_space<vmem>>
    %dma_wait3A_390 = arith.constant 0 : i32
    %dma_wait3A_391 = arith.constant 0 : i32
    %dma_wait3A_392 = tpu.memref_slice %arg2[%dma_wait3A_390, %dma_wait3A_391] : memref<1000000x64xf32, #tpu.memory_space<hbm>> -> memref<1000000x64xf32, #tpu.memory_space<hbm>>
    tpu.wait_indirect_dma semaphore(%arg9 : memref<!tpu.dma_semaphore, #tpu.memory_space<semaphore_mem>>) src(%dma_wait3A_392 : memref<1000000x64xf32, #tpu.memory_space<hbm>>) dst(%dma_wait3A_386 : memref<50x64xf32, #tpu.memory_space<vmem>>)
    %add3A_393 = arith.constant 8 : i32
    %add3A_394 = arith.addi %mul3A_2, %add3A_393 : i32
    %dma_start3A_395 = arith.constant 0 : i32
    %dma_start3A_396 = arith.constant 0 : i32
    %dma_start3A_397 = tpu.memref_slice %arg4[%add3A_394, %dma_start3A_395, %dma_start3A_396] : memref<16384x50x64xf32, #tpu.memory_space<hbm>> -> memref<8x50x64xf32, #tpu.memory_space<hbm>>
    %dma_start3A_398 = arith.constant 0 : i32
    %dma_start3A_399 = arith.constant 0 : i32
    %dma_start3A_400 = tpu.memref_slice %arg4[%add3A_394, %dma_start3A_398, %dma_start3A_399] : memref<16384x50x64xf32, #tpu.memory_space<hbm>> -> memref<8x50x64xf32, #tpu.memory_space<hbm>>
    tpu.enqueue_dma source(%arg7 : memref<8x50x64xf32, #tpu.memory_space<vmem>>) target(%dma_start3A_400 : memref<8x50x64xf32, #tpu.memory_space<hbm>>) target_semaphore(%arg11 : memref<!tpu.dma_semaphore, #tpu.memory_space<semaphore_mem>>)
    %scan3A = arith.constant 0 : i32
    %scan3A_401 = arith.constant 31 : i32
    %scan3A_402 = arith.addi %scan3A, %scan3A_401 : i32
    %scan3A_403 = arith.constant 1 : i32
    scf.for %scan3A_421 = %scan3A to %scan3A_402 step %scan3A_403  : i32 {
      %mul3A_422 = arith.constant 2 : i32
      %mul3A_423 = arith.muli %scan3A_421, %mul3A_422 : i32
      %add3A_424 = arith.constant 2 : i32
      %add3A_425 = arith.addi %add3A_424, %mul3A_423 : i32
      %sub3A = arith.constant 2 : i32
      %sub3A_426 = arith.subi %add3A_425, %sub3A : i32
      %mul3A_427 = arith.constant 8 : i32
      %mul3A_428 = arith.muli %sub3A_426, %mul3A_427 : i32
      %add3A_429 = arith.addi %mul3A_2, %mul3A_428 : i32
      %dma_wait3A_430 = arith.constant 0 : i32
      %dma_wait3A_431 = arith.constant 0 : i32
      %dma_wait3A_432 = tpu.memref_slice %arg4[%add3A_429, %dma_wait3A_430, %dma_wait3A_431] : memref<16384x50x64xf32, #tpu.memory_space<hbm>> -> memref<8x50x64xf32, #tpu.memory_space<hbm>>
      %dma_wait3A_433 = arith.constant 0 : i32
      %dma_wait3A_434 = arith.constant 0 : i32
      %dma_wait3A_435 = tpu.memref_slice %arg4[%add3A_429, %dma_wait3A_433, %dma_wait3A_434] : memref<16384x50x64xf32, #tpu.memory_space<hbm>> -> memref<8x50x64xf32, #tpu.memory_space<hbm>>
      tpu.wait_dma2 semaphore(%arg10 : memref<!tpu.dma_semaphore, #tpu.memory_space<semaphore_mem>>) src(%arg6 : memref<8x50x64xf32, #tpu.memory_space<vmem>>) dst(%dma_wait3A_435 : memref<8x50x64xf32, #tpu.memory_space<hbm>>)
      %mul3A_436 = arith.constant 8 : i32
      %mul3A_437 = arith.muli %add3A_425, %mul3A_436 : i32
      %add3A_438 = arith.constant 0 : i32
      %add3A_439 = arith.addi %mul3A_437, %add3A_438 : i32
      %dma_start3A_440 = arith.constant 0 : i32
      %dma_start3A_441 = arith.constant 0 : i32
      %dma_start3A_442 = arith.constant 0 : i32
      %dma_start3A_443 = tpu.memref_slice %arg6[%dma_start3A_440, %dma_start3A_441, %dma_start3A_442] : memref<8x50x64xf32, #tpu.memory_space<vmem>> -> memref<1x50x64xf32, #tpu.memory_space<vmem>>
      %dma_start3A_444 = tpu.memref_squeeze %dma_start3A_443 : memref<1x50x64xf32, #tpu.memory_space<vmem>> -> memref<50x64xf32, #tpu.memory_space<vmem>>
      %dma_start3A_445 = arith.constant 0 : i32
      %dma_start3A_446 = tpu.memref_slice %arg5[%add3A_439, %dma_start3A_445] : memref<512x50xi32, #tpu.memory_space<vmem>> -> memref<1x50xi32, #tpu.memory_space<vmem>>
      %dma_start3A_447 = tpu.memref_squeeze %dma_start3A_446 : memref<1x50xi32, #tpu.memory_space<vmem>> -> memref<50xi32, #tpu.memory_space<vmem>>
      %dma_start3A_448 = arith.constant 0 : i32
      %dma_start3A_449 = arith.constant 0 : i32
      %dma_start3A_450 = tpu.memref_slice %arg2[%dma_start3A_448, %dma_start3A_449] : memref<1000000x64xf32, #tpu.memory_space<hbm>> -> memref<1000000x64xf32, #tpu.memory_space<hbm>>
      tpu.enqueue_indirect_dma source(%dma_start3A_450 : memref<1000000x64xf32, #tpu.memory_space<hbm>>) target(%dma_start3A_444 : memref<50x64xf32, #tpu.memory_space<vmem>>) offsets(%dma_start3A_447 : memref<50xi32, #tpu.memory_space<vmem>>) semaphore(%arg8 : memref<!tpu.dma_semaphore, #tpu.memory_space<semaphore_mem>>)
      %mul3A_451 = arith.constant 8 : i32
      %mul3A_452 = arith.muli %add3A_425, %mul3A_451 : i32
      %add3A_453 = arith.constant 1 : i32
      %add3A_454 = arith.addi %mul3A_452, %add3A_453 : i32
      %dma_start3A_455 = arith.constant 1 : i32
      %dma_start3A_456 = arith.constant 0 : i32
      %dma_start3A_457 = arith.constant 0 : i32
      %dma_start3A_458 = tpu.memref_slice %arg6[%dma_start3A_455, %dma_start3A_456, %dma_start3A_457] : memref<8x50x64xf32, #tpu.memory_space<vmem>> -> memref<1x50x64xf32, #tpu.memory_space<vmem>>
      %dma_start3A_459 = tpu.memref_squeeze %dma_start3A_458 : memref<1x50x64xf32, #tpu.memory_space<vmem>> -> memref<50x64xf32, #tpu.memory_space<vmem>>
      %dma_start3A_460 = arith.constant 0 : i32
      %dma_start3A_461 = tpu.memref_slice %arg5[%add3A_454, %dma_start3A_460] : memref<512x50xi32, #tpu.memory_space<vmem>> -> memref<1x50xi32, #tpu.memory_space<vmem>>
      %dma_start3A_462 = tpu.memref_squeeze %dma_start3A_461 : memref<1x50xi32, #tpu.memory_space<vmem>> -> memref<50xi32, #tpu.memory_space<vmem>>
      %dma_start3A_463 = arith.constant 0 : i32
      %dma_start3A_464 = arith.constant 0 : i32
      %dma_start3A_465 = tpu.memref_slice %arg2[%dma_start3A_463, %dma_start3A_464] : memref<1000000x64xf32, #tpu.memory_space<hbm>> -> memref<1000000x64xf32, #tpu.memory_space<hbm>>
      tpu.enqueue_indirect_dma source(%dma_start3A_465 : memref<1000000x64xf32, #tpu.memory_space<hbm>>) target(%dma_start3A_459 : memref<50x64xf32, #tpu.memory_space<vmem>>) offsets(%dma_start3A_462 : memref<50xi32, #tpu.memory_space<vmem>>) semaphore(%arg8 : memref<!tpu.dma_semaphore, #tpu.memory_space<semaphore_mem>>)
      %mul3A_466 = arith.constant 8 : i32
      %mul3A_467 = arith.muli %add3A_425, %mul3A_466 : i32
      %add3A_468 = arith.constant 2 : i32
      %add3A_469 = arith.addi %mul3A_467, %add3A_468 : i32
      %dma_start3A_470 = arith.constant 2 : i32
      %dma_start3A_471 = arith.constant 0 : i32
      %dma_start3A_472 = arith.constant 0 : i32
      %dma_start3A_473 = tpu.memref_slice %arg6[%dma_start3A_470, %dma_start3A_471, %dma_start3A_472] : memref<8x50x64xf32, #tpu.memory_space<vmem>> -> memref<1x50x64xf32, #tpu.memory_space<vmem>>
      %dma_start3A_474 = tpu.memref_squeeze %dma_start3A_473 : memref<1x50x64xf32, #tpu.memory_space<vmem>> -> memref<50x64xf32, #tpu.memory_space<vmem>>
      %dma_start3A_475 = arith.constant 0 : i32
      %dma_start3A_476 = tpu.memref_slice %arg5[%add3A_469, %dma_start3A_475] : memref<512x50xi32, #tpu.memory_space<vmem>> -> memref<1x50xi32, #tpu.memory_space<vmem>>
      %dma_start3A_477 = tpu.memref_squeeze %dma_start3A_476 : memref<1x50xi32, #tpu.memory_space<vmem>> -> memref<50xi32, #tpu.memory_space<vmem>>
      %dma_start3A_478 = arith.constant 0 : i32
      %dma_start3A_479 = arith.constant 0 : i32
      %dma_start3A_480 = tpu.memref_slice %arg2[%dma_start3A_478, %dma_start3A_479] : memref<1000000x64xf32, #tpu.memory_space<hbm>> -> memref<1000000x64xf32, #tpu.memory_space<hbm>>
      tpu.enqueue_indirect_dma source(%dma_start3A_480 : memref<1000000x64xf32, #tpu.memory_space<hbm>>) target(%dma_start3A_474 : memref<50x64xf32, #tpu.memory_space<vmem>>) offsets(%dma_start3A_477 : memref<50xi32, #tpu.memory_space<vmem>>) semaphore(%arg8 : memref<!tpu.dma_semaphore, #tpu.memory_space<semaphore_mem>>)
      %mul3A_481 = arith.constant 8 : i32
      %mul3A_482 = arith.muli %add3A_425, %mul3A_481 : i32
      %add3A_483 = arith.constant 3 : i32
      %add3A_484 = arith.addi %mul3A_482, %add3A_483 : i32
      %dma_start3A_485 = arith.constant 3 : i32
      %dma_start3A_486 = arith.constant 0 : i32
      %dma_start3A_487 = arith.constant 0 : i32
      %dma_start3A_488 = tpu.memref_slice %arg6[%dma_start3A_485, %dma_start3A_486, %dma_start3A_487] : memref<8x50x64xf32, #tpu.memory_space<vmem>> -> memref<1x50x64xf32, #tpu.memory_space<vmem>>
      %dma_start3A_489 = tpu.memref_squeeze %dma_start3A_488 : memref<1x50x64xf32, #tpu.memory_space<vmem>> -> memref<50x64xf32, #tpu.memory_space<vmem>>
      %dma_start3A_490 = arith.constant 0 : i32
      %dma_start3A_491 = tpu.memref_slice %arg5[%add3A_484, %dma_start3A_490] : memref<512x50xi32, #tpu.memory_space<vmem>> -> memref<1x50xi32, #tpu.memory_space<vmem>>
      %dma_start3A_492 = tpu.memref_squeeze %dma_start3A_491 : memref<1x50xi32, #tpu.memory_space<vmem>> -> memref<50xi32, #tpu.memory_space<vmem>>
      %dma_start3A_493 = arith.constant 0 : i32
      %dma_start3A_494 = arith.constant 0 : i32
      %dma_start3A_495 = tpu.memref_slice %arg2[%dma_start3A_493, %dma_start3A_494] : memref<1000000x64xf32, #tpu.memory_space<hbm>> -> memref<1000000x64xf32, #tpu.memory_space<hbm>>
      tpu.enqueue_indirect_dma source(%dma_start3A_495 : memref<1000000x64xf32, #tpu.memory_space<hbm>>) target(%dma_start3A_489 : memref<50x64xf32, #tpu.memory_space<vmem>>) offsets(%dma_start3A_492 : memref<50xi32, #tpu.memory_space<vmem>>) semaphore(%arg8 : memref<!tpu.dma_semaphore, #tpu.memory_space<semaphore_mem>>)
      %mul3A_496 = arith.constant 8 : i32
      %mul3A_497 = arith.muli %add3A_425, %mul3A_496 : i32
      %add3A_498 = arith.constant 4 : i32
      %add3A_499 = arith.addi %mul3A_497, %add3A_498 : i32
      %dma_start3A_500 = arith.constant 4 : i32
      %dma_start3A_501 = arith.constant 0 : i32
      %dma_start3A_502 = arith.constant 0 : i32
      %dma_start3A_503 = tpu.memref_slice %arg6[%dma_start3A_500, %dma_start3A_501, %dma_start3A_502] : memref<8x50x64xf32, #tpu.memory_space<vmem>> -> memref<1x50x64xf32, #tpu.memory_space<vmem>>
      %dma_start3A_504 = tpu.memref_squeeze %dma_start3A_503 : memref<1x50x64xf32, #tpu.memory_space<vmem>> -> memref<50x64xf32, #tpu.memory_space<vmem>>
      %dma_start3A_505 = arith.constant 0 : i32
      %dma_start3A_506 = tpu.memref_slice %arg5[%add3A_499, %dma_start3A_505] : memref<512x50xi32, #tpu.memory_space<vmem>> -> memref<1x50xi32, #tpu.memory_space<vmem>>
      %dma_start3A_507 = tpu.memref_squeeze %dma_start3A_506 : memref<1x50xi32, #tpu.memory_space<vmem>> -> memref<50xi32, #tpu.memory_space<vmem>>
      %dma_start3A_508 = arith.constant 0 : i32
      %dma_start3A_509 = arith.constant 0 : i32
      %dma_start3A_510 = tpu.memref_slice %arg2[%dma_start3A_508, %dma_start3A_509] : memref<1000000x64xf32, #tpu.memory_space<hbm>> -> memref<1000000x64xf32, #tpu.memory_space<hbm>>
      tpu.enqueue_indirect_dma source(%dma_start3A_510 : memref<1000000x64xf32, #tpu.memory_space<hbm>>) target(%dma_start3A_504 : memref<50x64xf32, #tpu.memory_space<vmem>>) offsets(%dma_start3A_507 : memref<50xi32, #tpu.memory_space<vmem>>) semaphore(%arg8 : memref<!tpu.dma_semaphore, #tpu.memory_space<semaphore_mem>>)
      %mul3A_511 = arith.constant 8 : i32
      %mul3A_512 = arith.muli %add3A_425, %mul3A_511 : i32
      %add3A_513 = arith.constant 5 : i32
      %add3A_514 = arith.addi %mul3A_512, %add3A_513 : i32
      %dma_start3A_515 = arith.constant 5 : i32
      %dma_start3A_516 = arith.constant 0 : i32
      %dma_start3A_517 = arith.constant 0 : i32
      %dma_start3A_518 = tpu.memref_slice %arg6[%dma_start3A_515, %dma_start3A_516, %dma_start3A_517] : memref<8x50x64xf32, #tpu.memory_space<vmem>> -> memref<1x50x64xf32, #tpu.memory_space<vmem>>
      %dma_start3A_519 = tpu.memref_squeeze %dma_start3A_518 : memref<1x50x64xf32, #tpu.memory_space<vmem>> -> memref<50x64xf32, #tpu.memory_space<vmem>>
      %dma_start3A_520 = arith.constant 0 : i32
      %dma_start3A_521 = tpu.memref_slice %arg5[%add3A_514, %dma_start3A_520] : memref<512x50xi32, #tpu.memory_space<vmem>> -> memref<1x50xi32, #tpu.memory_space<vmem>>
      %dma_start3A_522 = tpu.memref_squeeze %dma_start3A_521 : memref<1x50xi32, #tpu.memory_space<vmem>> -> memref<50xi32, #tpu.memory_space<vmem>>
      %dma_start3A_523 = arith.constant 0 : i32
      %dma_start3A_524 = arith.constant 0 : i32
      %dma_start3A_525 = tpu.memref_slice %arg2[%dma_start3A_523, %dma_start3A_524] : memref<1000000x64xf32, #tpu.memory_space<hbm>> -> memref<1000000x64xf32, #tpu.memory_space<hbm>>
      tpu.enqueue_indirect_dma source(%dma_start3A_525 : memref<1000000x64xf32, #tpu.memory_space<hbm>>) target(%dma_start3A_519 : memref<50x64xf32, #tpu.memory_space<vmem>>) offsets(%dma_start3A_522 : memref<50xi32, #tpu.memory_space<vmem>>) semaphore(%arg8 : memref<!tpu.dma_semaphore, #tpu.memory_space<semaphore_mem>>)
      %mul3A_526 = arith.constant 8 : i32
      %mul3A_527 = arith.muli %add3A_425, %mul3A_526 : i32
      %add3A_528 = arith.constant 6 : i32
      %add3A_529 = arith.addi %mul3A_527, %add3A_528 : i32
      %dma_start3A_530 = arith.constant 6 : i32
      %dma_start3A_531 = arith.constant 0 : i32
      %dma_start3A_532 = arith.constant 0 : i32
      %dma_start3A_533 = tpu.memref_slice %arg6[%dma_start3A_530, %dma_start3A_531, %dma_start3A_532] : memref<8x50x64xf32, #tpu.memory_space<vmem>> -> memref<1x50x64xf32, #tpu.memory_space<vmem>>
      %dma_start3A_534 = tpu.memref_squeeze %dma_start3A_533 : memref<1x50x64xf32, #tpu.memory_space<vmem>> -> memref<50x64xf32, #tpu.memory_space<vmem>>
      %dma_start3A_535 = arith.constant 0 : i32
      %dma_start3A_536 = tpu.memref_slice %arg5[%add3A_529, %dma_start3A_535] : memref<512x50xi32, #tpu.memory_space<vmem>> -> memref<1x50xi32, #tpu.memory_space<vmem>>
      %dma_start3A_537 = tpu.memref_squeeze %dma_start3A_536 : memref<1x50xi32, #tpu.memory_space<vmem>> -> memref<50xi32, #tpu.memory_space<vmem>>
      %dma_start3A_538 = arith.constant 0 : i32
      %dma_start3A_539 = arith.constant 0 : i32
      %dma_start3A_540 = tpu.memref_slice %arg2[%dma_start3A_538, %dma_start3A_539] : memref<1000000x64xf32, #tpu.memory_space<hbm>> -> memref<1000000x64xf32, #tpu.memory_space<hbm>>
      tpu.enqueue_indirect_dma source(%dma_start3A_540 : memref<1000000x64xf32, #tpu.memory_space<hbm>>) target(%dma_start3A_534 : memref<50x64xf32, #tpu.memory_space<vmem>>) offsets(%dma_start3A_537 : memref<50xi32, #tpu.memory_space<vmem>>) semaphore(%arg8 : memref<!tpu.dma_semaphore, #tpu.memory_space<semaphore_mem>>)
      %mul3A_541 = arith.constant 8 : i32
      %mul3A_542 = arith.muli %add3A_425, %mul3A_541 : i32
      %add3A_543 = arith.constant 7 : i32
      %add3A_544 = arith.addi %mul3A_542, %add3A_543 : i32
      %dma_start3A_545 = arith.constant 7 : i32
      %dma_start3A_546 = arith.constant 0 : i32
      %dma_start3A_547 = arith.constant 0 : i32
      %dma_start3A_548 = tpu.memref_slice %arg6[%dma_start3A_545, %dma_start3A_546, %dma_start3A_547] : memref<8x50x64xf32, #tpu.memory_space<vmem>> -> memref<1x50x64xf32, #tpu.memory_space<vmem>>
      %dma_start3A_549 = tpu.memref_squeeze %dma_start3A_548 : memref<1x50x64xf32, #tpu.memory_space<vmem>> -> memref<50x64xf32, #tpu.memory_space<vmem>>
      %dma_start3A_550 = arith.constant 0 : i32
      %dma_start3A_551 = tpu.memref_slice %arg5[%add3A_544, %dma_start3A_550] : memref<512x50xi32, #tpu.memory_space<vmem>> -> memref<1x50xi32, #tpu.memory_space<vmem>>
      %dma_start3A_552 = tpu.memref_squeeze %dma_start3A_551 : memref<1x50xi32, #tpu.memory_space<vmem>> -> memref<50xi32, #tpu.memory_space<vmem>>
      %dma_start3A_553 = arith.constant 0 : i32
      %dma_start3A_554 = arith.constant 0 : i32
      %dma_start3A_555 = tpu.memref_slice %arg2[%dma_start3A_553, %dma_start3A_554] : memref<1000000x64xf32, #tpu.memory_space<hbm>> -> memref<1000000x64xf32, #tpu.memory_space<hbm>>
      tpu.enqueue_indirect_dma source(%dma_start3A_555 : memref<1000000x64xf32, #tpu.memory_space<hbm>>) target(%dma_start3A_549 : memref<50x64xf32, #tpu.memory_space<vmem>>) offsets(%dma_start3A_552 : memref<50xi32, #tpu.memory_space<vmem>>) semaphore(%arg8 : memref<!tpu.dma_semaphore, #tpu.memory_space<semaphore_mem>>)
      %sub3A_556 = arith.constant 1 : i32
      %sub3A_557 = arith.subi %add3A_425, %sub3A_556 : i32
      %mul3A_558 = arith.constant 8 : i32
      %mul3A_559 = arith.muli %sub3A_557, %mul3A_558 : i32
      %add3A_560 = arith.addi %mul3A_2, %mul3A_559 : i32
      %dma_wait3A_561 = arith.constant 0 : i32
      %dma_wait3A_562 = arith.constant 0 : i32
      %dma_wait3A_563 = tpu.memref_slice %arg4[%add3A_560, %dma_wait3A_561, %dma_wait3A_562] : memref<16384x50x64xf32, #tpu.memory_space<hbm>> -> memref<8x50x64xf32, #tpu.memory_space<hbm>>
      %dma_wait3A_564 = arith.constant 0 : i32
      %dma_wait3A_565 = arith.constant 0 : i32
      %dma_wait3A_566 = tpu.memref_slice %arg4[%add3A_560, %dma_wait3A_564, %dma_wait3A_565] : memref<16384x50x64xf32, #tpu.memory_space<hbm>> -> memref<8x50x64xf32, #tpu.memory_space<hbm>>
      tpu.wait_dma2 semaphore(%arg11 : memref<!tpu.dma_semaphore, #tpu.memory_space<semaphore_mem>>) src(%arg7 : memref<8x50x64xf32, #tpu.memory_space<vmem>>) dst(%dma_wait3A_566 : memref<8x50x64xf32, #tpu.memory_space<hbm>>)
      %add3A_567 = arith.constant 1 : i32
      %add3A_568 = arith.addi %add3A_425, %add3A_567 : i32
      %mul3A_569 = arith.constant 8 : i32
      %mul3A_570 = arith.muli %add3A_568, %mul3A_569 : i32
      %add3A_571 = arith.constant 0 : i32
      %add3A_572 = arith.addi %mul3A_570, %add3A_571 : i32
      %dma_start3A_573 = arith.constant 0 : i32
      %dma_start3A_574 = arith.constant 0 : i32
      %dma_start3A_575 = arith.constant 0 : i32
      %dma_start3A_576 = tpu.memref_slice %arg7[%dma_start3A_573, %dma_start3A_574, %dma_start3A_575] : memref<8x50x64xf32, #tpu.memory_space<vmem>> -> memref<1x50x64xf32, #tpu.memory_space<vmem>>
      %dma_start3A_577 = tpu.memref_squeeze %dma_start3A_576 : memref<1x50x64xf32, #tpu.memory_space<vmem>> -> memref<50x64xf32, #tpu.memory_space<vmem>>
      %dma_start3A_578 = arith.constant 0 : i32
      %dma_start3A_579 = tpu.memref_slice %arg5[%add3A_572, %dma_start3A_578] : memref<512x50xi32, #tpu.memory_space<vmem>> -> memref<1x50xi32, #tpu.memory_space<vmem>>
      %dma_start3A_580 = tpu.memref_squeeze %dma_start3A_579 : memref<1x50xi32, #tpu.memory_space<vmem>> -> memref<50xi32, #tpu.memory_space<vmem>>
      %dma_start3A_581 = arith.constant 0 : i32
      %dma_start3A_582 = arith.constant 0 : i32
      %dma_start3A_583 = tpu.memref_slice %arg2[%dma_start3A_581, %dma_start3A_582] : memref<1000000x64xf32, #tpu.memory_space<hbm>> -> memref<1000000x64xf32, #tpu.memory_space<hbm>>
      tpu.enqueue_indirect_dma source(%dma_start3A_583 : memref<1000000x64xf32, #tpu.memory_space<hbm>>) target(%dma_start3A_577 : memref<50x64xf32, #tpu.memory_space<vmem>>) offsets(%dma_start3A_580 : memref<50xi32, #tpu.memory_space<vmem>>) semaphore(%arg9 : memref<!tpu.dma_semaphore, #tpu.memory_space<semaphore_mem>>)
      %mul3A_584 = arith.constant 8 : i32
      %mul3A_585 = arith.muli %add3A_568, %mul3A_584 : i32
      %add3A_586 = arith.constant 1 : i32
      %add3A_587 = arith.addi %mul3A_585, %add3A_586 : i32
      %dma_start3A_588 = arith.constant 1 : i32
      %dma_start3A_589 = arith.constant 0 : i32
      %dma_start3A_590 = arith.constant 0 : i32
      %dma_start3A_591 = tpu.memref_slice %arg7[%dma_start3A_588, %dma_start3A_589, %dma_start3A_590] : memref<8x50x64xf32, #tpu.memory_space<vmem>> -> memref<1x50x64xf32, #tpu.memory_space<vmem>>
      %dma_start3A_592 = tpu.memref_squeeze %dma_start3A_591 : memref<1x50x64xf32, #tpu.memory_space<vmem>> -> memref<50x64xf32, #tpu.memory_space<vmem>>
      %dma_start3A_593 = arith.constant 0 : i32
      %dma_start3A_594 = tpu.memref_slice %arg5[%add3A_587, %dma_start3A_593] : memref<512x50xi32, #tpu.memory_space<vmem>> -> memref<1x50xi32, #tpu.memory_space<vmem>>
      %dma_start3A_595 = tpu.memref_squeeze %dma_start3A_594 : memref<1x50xi32, #tpu.memory_space<vmem>> -> memref<50xi32, #tpu.memory_space<vmem>>
      %dma_start3A_596 = arith.constant 0 : i32
      %dma_start3A_597 = arith.constant 0 : i32
      %dma_start3A_598 = tpu.memref_slice %arg2[%dma_start3A_596, %dma_start3A_597] : memref<1000000x64xf32, #tpu.memory_space<hbm>> -> memref<1000000x64xf32, #tpu.memory_space<hbm>>
      tpu.enqueue_indirect_dma source(%dma_start3A_598 : memref<1000000x64xf32, #tpu.memory_space<hbm>>) target(%dma_start3A_592 : memref<50x64xf32, #tpu.memory_space<vmem>>) offsets(%dma_start3A_595 : memref<50xi32, #tpu.memory_space<vmem>>) semaphore(%arg9 : memref<!tpu.dma_semaphore, #tpu.memory_space<semaphore_mem>>)
      %mul3A_599 = arith.constant 8 : i32
      %mul3A_600 = arith.muli %add3A_568, %mul3A_599 : i32
      %add3A_601 = arith.constant 2 : i32
      %add3A_602 = arith.addi %mul3A_600, %add3A_601 : i32
      %dma_start3A_603 = arith.constant 2 : i32
      %dma_start3A_604 = arith.constant 0 : i32
      %dma_start3A_605 = arith.constant 0 : i32
      %dma_start3A_606 = tpu.memref_slice %arg7[%dma_start3A_603, %dma_start3A_604, %dma_start3A_605] : memref<8x50x64xf32, #tpu.memory_space<vmem>> -> memref<1x50x64xf32, #tpu.memory_space<vmem>>
      %dma_start3A_607 = tpu.memref_squeeze %dma_start3A_606 : memref<1x50x64xf32, #tpu.memory_space<vmem>> -> memref<50x64xf32, #tpu.memory_space<vmem>>
      %dma_start3A_608 = arith.constant 0 : i32
      %dma_start3A_609 = tpu.memref_slice %arg5[%add3A_602, %dma_start3A_608] : memref<512x50xi32, #tpu.memory_space<vmem>> -> memref<1x50xi32, #tpu.memory_space<vmem>>
      %dma_start3A_610 = tpu.memref_squeeze %dma_start3A_609 : memref<1x50xi32, #tpu.memory_space<vmem>> -> memref<50xi32, #tpu.memory_space<vmem>>
      %dma_start3A_611 = arith.constant 0 : i32
      %dma_start3A_612 = arith.constant 0 : i32
      %dma_start3A_613 = tpu.memref_slice %arg2[%dma_start3A_611, %dma_start3A_612] : memref<1000000x64xf32, #tpu.memory_space<hbm>> -> memref<1000000x64xf32, #tpu.memory_space<hbm>>
      tpu.enqueue_indirect_dma source(%dma_start3A_613 : memref<1000000x64xf32, #tpu.memory_space<hbm>>) target(%dma_start3A_607 : memref<50x64xf32, #tpu.memory_space<vmem>>) offsets(%dma_start3A_610 : memref<50xi32, #tpu.memory_space<vmem>>) semaphore(%arg9 : memref<!tpu.dma_semaphore, #tpu.memory_space<semaphore_mem>>)
      %mul3A_614 = arith.constant 8 : i32
      %mul3A_615 = arith.muli %add3A_568, %mul3A_614 : i32
      %add3A_616 = arith.constant 3 : i32
      %add3A_617 = arith.addi %mul3A_615, %add3A_616 : i32
      %dma_start3A_618 = arith.constant 3 : i32
      %dma_start3A_619 = arith.constant 0 : i32
      %dma_start3A_620 = arith.constant 0 : i32
      %dma_start3A_621 = tpu.memref_slice %arg7[%dma_start3A_618, %dma_start3A_619, %dma_start3A_620] : memref<8x50x64xf32, #tpu.memory_space<vmem>> -> memref<1x50x64xf32, #tpu.memory_space<vmem>>
      %dma_start3A_622 = tpu.memref_squeeze %dma_start3A_621 : memref<1x50x64xf32, #tpu.memory_space<vmem>> -> memref<50x64xf32, #tpu.memory_space<vmem>>
      %dma_start3A_623 = arith.constant 0 : i32
      %dma_start3A_624 = tpu.memref_slice %arg5[%add3A_617, %dma_start3A_623] : memref<512x50xi32, #tpu.memory_space<vmem>> -> memref<1x50xi32, #tpu.memory_space<vmem>>
      %dma_start3A_625 = tpu.memref_squeeze %dma_start3A_624 : memref<1x50xi32, #tpu.memory_space<vmem>> -> memref<50xi32, #tpu.memory_space<vmem>>
      %dma_start3A_626 = arith.constant 0 : i32
      %dma_start3A_627 = arith.constant 0 : i32
      %dma_start3A_628 = tpu.memref_slice %arg2[%dma_start3A_626, %dma_start3A_627] : memref<1000000x64xf32, #tpu.memory_space<hbm>> -> memref<1000000x64xf32, #tpu.memory_space<hbm>>
      tpu.enqueue_indirect_dma source(%dma_start3A_628 : memref<1000000x64xf32, #tpu.memory_space<hbm>>) target(%dma_start3A_622 : memref<50x64xf32, #tpu.memory_space<vmem>>) offsets(%dma_start3A_625 : memref<50xi32, #tpu.memory_space<vmem>>) semaphore(%arg9 : memref<!tpu.dma_semaphore, #tpu.memory_space<semaphore_mem>>)
      %mul3A_629 = arith.constant 8 : i32
      %mul3A_630 = arith.muli %add3A_568, %mul3A_629 : i32
      %add3A_631 = arith.constant 4 : i32
      %add3A_632 = arith.addi %mul3A_630, %add3A_631 : i32
      %dma_start3A_633 = arith.constant 4 : i32
      %dma_start3A_634 = arith.constant 0 : i32
      %dma_start3A_635 = arith.constant 0 : i32
      %dma_start3A_636 = tpu.memref_slice %arg7[%dma_start3A_633, %dma_start3A_634, %dma_start3A_635] : memref<8x50x64xf32, #tpu.memory_space<vmem>> -> memref<1x50x64xf32, #tpu.memory_space<vmem>>
      %dma_start3A_637 = tpu.memref_squeeze %dma_start3A_636 : memref<1x50x64xf32, #tpu.memory_space<vmem>> -> memref<50x64xf32, #tpu.memory_space<vmem>>
      %dma_start3A_638 = arith.constant 0 : i32
      %dma_start3A_639 = tpu.memref_slice %arg5[%add3A_632, %dma_start3A_638] : memref<512x50xi32, #tpu.memory_space<vmem>> -> memref<1x50xi32, #tpu.memory_space<vmem>>
      %dma_start3A_640 = tpu.memref_squeeze %dma_start3A_639 : memref<1x50xi32, #tpu.memory_space<vmem>> -> memref<50xi32, #tpu.memory_space<vmem>>
      %dma_start3A_641 = arith.constant 0 : i32
      %dma_start3A_642 = arith.constant 0 : i32
      %dma_start3A_643 = tpu.memref_slice %arg2[%dma_start3A_641, %dma_start3A_642] : memref<1000000x64xf32, #tpu.memory_space<hbm>> -> memref<1000000x64xf32, #tpu.memory_space<hbm>>
      tpu.enqueue_indirect_dma source(%dma_start3A_643 : memref<1000000x64xf32, #tpu.memory_space<hbm>>) target(%dma_start3A_637 : memref<50x64xf32, #tpu.memory_space<vmem>>) offsets(%dma_start3A_640 : memref<50xi32, #tpu.memory_space<vmem>>) semaphore(%arg9 : memref<!tpu.dma_semaphore, #tpu.memory_space<semaphore_mem>>)
      %mul3A_644 = arith.constant 8 : i32
      %mul3A_645 = arith.muli %add3A_568, %mul3A_644 : i32
      %add3A_646 = arith.constant 5 : i32
      %add3A_647 = arith.addi %mul3A_645, %add3A_646 : i32
      %dma_start3A_648 = arith.constant 5 : i32
      %dma_start3A_649 = arith.constant 0 : i32
      %dma_start3A_650 = arith.constant 0 : i32
      %dma_start3A_651 = tpu.memref_slice %arg7[%dma_start3A_648, %dma_start3A_649, %dma_start3A_650] : memref<8x50x64xf32, #tpu.memory_space<vmem>> -> memref<1x50x64xf32, #tpu.memory_space<vmem>>
      %dma_start3A_652 = tpu.memref_squeeze %dma_start3A_651 : memref<1x50x64xf32, #tpu.memory_space<vmem>> -> memref<50x64xf32, #tpu.memory_space<vmem>>
      %dma_start3A_653 = arith.constant 0 : i32
      %dma_start3A_654 = tpu.memref_slice %arg5[%add3A_647, %dma_start3A_653] : memref<512x50xi32, #tpu.memory_space<vmem>> -> memref<1x50xi32, #tpu.memory_space<vmem>>
      %dma_start3A_655 = tpu.memref_squeeze %dma_start3A_654 : memref<1x50xi32, #tpu.memory_space<vmem>> -> memref<50xi32, #tpu.memory_space<vmem>>
      %dma_start3A_656 = arith.constant 0 : i32
      %dma_start3A_657 = arith.constant 0 : i32
      %dma_start3A_658 = tpu.memref_slice %arg2[%dma_start3A_656, %dma_start3A_657] : memref<1000000x64xf32, #tpu.memory_space<hbm>> -> memref<1000000x64xf32, #tpu.memory_space<hbm>>
      tpu.enqueue_indirect_dma source(%dma_start3A_658 : memref<1000000x64xf32, #tpu.memory_space<hbm>>) target(%dma_start3A_652 : memref<50x64xf32, #tpu.memory_space<vmem>>) offsets(%dma_start3A_655 : memref<50xi32, #tpu.memory_space<vmem>>) semaphore(%arg9 : memref<!tpu.dma_semaphore, #tpu.memory_space<semaphore_mem>>)
      %mul3A_659 = arith.constant 8 : i32
      %mul3A_660 = arith.muli %add3A_568, %mul3A_659 : i32
      %add3A_661 = arith.constant 6 : i32
      %add3A_662 = arith.addi %mul3A_660, %add3A_661 : i32
      %dma_start3A_663 = arith.constant 6 : i32
      %dma_start3A_664 = arith.constant 0 : i32
      %dma_start3A_665 = arith.constant 0 : i32
      %dma_start3A_666 = tpu.memref_slice %arg7[%dma_start3A_663, %dma_start3A_664, %dma_start3A_665] : memref<8x50x64xf32, #tpu.memory_space<vmem>> -> memref<1x50x64xf32, #tpu.memory_space<vmem>>
      %dma_start3A_667 = tpu.memref_squeeze %dma_start3A_666 : memref<1x50x64xf32, #tpu.memory_space<vmem>> -> memref<50x64xf32, #tpu.memory_space<vmem>>
      %dma_start3A_668 = arith.constant 0 : i32
      %dma_start3A_669 = tpu.memref_slice %arg5[%add3A_662, %dma_start3A_668] : memref<512x50xi32, #tpu.memory_space<vmem>> -> memref<1x50xi32, #tpu.memory_space<vmem>>
      %dma_start3A_670 = tpu.memref_squeeze %dma_start3A_669 : memref<1x50xi32, #tpu.memory_space<vmem>> -> memref<50xi32, #tpu.memory_space<vmem>>
      %dma_start3A_671 = arith.constant 0 : i32
      %dma_start3A_672 = arith.constant 0 : i32
      %dma_start3A_673 = tpu.memref_slice %arg2[%dma_start3A_671, %dma_start3A_672] : memref<1000000x64xf32, #tpu.memory_space<hbm>> -> memref<1000000x64xf32, #tpu.memory_space<hbm>>
      tpu.enqueue_indirect_dma source(%dma_start3A_673 : memref<1000000x64xf32, #tpu.memory_space<hbm>>) target(%dma_start3A_667 : memref<50x64xf32, #tpu.memory_space<vmem>>) offsets(%dma_start3A_670 : memref<50xi32, #tpu.memory_space<vmem>>) semaphore(%arg9 : memref<!tpu.dma_semaphore, #tpu.memory_space<semaphore_mem>>)
      %mul3A_674 = arith.constant 8 : i32
      %mul3A_675 = arith.muli %add3A_568, %mul3A_674 : i32
      %add3A_676 = arith.constant 7 : i32
      %add3A_677 = arith.addi %mul3A_675, %add3A_676 : i32
      %dma_start3A_678 = arith.constant 7 : i32
      %dma_start3A_679 = arith.constant 0 : i32
      %dma_start3A_680 = arith.constant 0 : i32
      %dma_start3A_681 = tpu.memref_slice %arg7[%dma_start3A_678, %dma_start3A_679, %dma_start3A_680] : memref<8x50x64xf32, #tpu.memory_space<vmem>> -> memref<1x50x64xf32, #tpu.memory_space<vmem>>
      %dma_start3A_682 = tpu.memref_squeeze %dma_start3A_681 : memref<1x50x64xf32, #tpu.memory_space<vmem>> -> memref<50x64xf32, #tpu.memory_space<vmem>>
      %dma_start3A_683 = arith.constant 0 : i32
      %dma_start3A_684 = tpu.memref_slice %arg5[%add3A_677, %dma_start3A_683] : memref<512x50xi32, #tpu.memory_space<vmem>> -> memref<1x50xi32, #tpu.memory_space<vmem>>
      %dma_start3A_685 = tpu.memref_squeeze %dma_start3A_684 : memref<1x50xi32, #tpu.memory_space<vmem>> -> memref<50xi32, #tpu.memory_space<vmem>>
      %dma_start3A_686 = arith.constant 0 : i32
      %dma_start3A_687 = arith.constant 0 : i32
      %dma_start3A_688 = tpu.memref_slice %arg2[%dma_start3A_686, %dma_start3A_687] : memref<1000000x64xf32, #tpu.memory_space<hbm>> -> memref<1000000x64xf32, #tpu.memory_space<hbm>>
      tpu.enqueue_indirect_dma source(%dma_start3A_688 : memref<1000000x64xf32, #tpu.memory_space<hbm>>) target(%dma_start3A_682 : memref<50x64xf32, #tpu.memory_space<vmem>>) offsets(%dma_start3A_685 : memref<50xi32, #tpu.memory_space<vmem>>) semaphore(%arg9 : memref<!tpu.dma_semaphore, #tpu.memory_space<semaphore_mem>>)
      %dma_wait3A_689 = arith.constant 0 : i32
      %dma_wait3A_690 = arith.constant 0 : i32
      %dma_wait3A_691 = arith.constant 0 : i32
      %dma_wait3A_692 = tpu.memref_slice %arg6[%dma_wait3A_689, %dma_wait3A_690, %dma_wait3A_691] : memref<8x50x64xf32, #tpu.memory_space<vmem>> -> memref<1x50x64xf32, #tpu.memory_space<vmem>>
      %dma_wait3A_693 = tpu.memref_squeeze %dma_wait3A_692 : memref<1x50x64xf32, #tpu.memory_space<vmem>> -> memref<50x64xf32, #tpu.memory_space<vmem>>
      %dma_wait3A_694 = arith.constant 0 : i32
      %dma_wait3A_695 = tpu.memref_slice %arg5[%add3A_439, %dma_wait3A_694] : memref<512x50xi32, #tpu.memory_space<vmem>> -> memref<1x50xi32, #tpu.memory_space<vmem>>
      %dma_wait3A_696 = tpu.memref_squeeze %dma_wait3A_695 : memref<1x50xi32, #tpu.memory_space<vmem>> -> memref<50xi32, #tpu.memory_space<vmem>>
      %dma_wait3A_697 = arith.constant 0 : i32
      %dma_wait3A_698 = arith.constant 0 : i32
      %dma_wait3A_699 = tpu.memref_slice %arg2[%dma_wait3A_697, %dma_wait3A_698] : memref<1000000x64xf32, #tpu.memory_space<hbm>> -> memref<1000000x64xf32, #tpu.memory_space<hbm>>
      tpu.wait_indirect_dma semaphore(%arg8 : memref<!tpu.dma_semaphore, #tpu.memory_space<semaphore_mem>>) src(%dma_wait3A_699 : memref<1000000x64xf32, #tpu.memory_space<hbm>>) dst(%dma_wait3A_693 : memref<50x64xf32, #tpu.memory_space<vmem>>)
      %dma_wait3A_700 = arith.constant 1 : i32
      %dma_wait3A_701 = arith.constant 0 : i32
      %dma_wait3A_702 = arith.constant 0 : i32
      %dma_wait3A_703 = tpu.memref_slice %arg6[%dma_wait3A_700, %dma_wait3A_701, %dma_wait3A_702] : memref<8x50x64xf32, #tpu.memory_space<vmem>> -> memref<1x50x64xf32, #tpu.memory_space<vmem>>
      %dma_wait3A_704 = tpu.memref_squeeze %dma_wait3A_703 : memref<1x50x64xf32, #tpu.memory_space<vmem>> -> memref<50x64xf32, #tpu.memory_space<vmem>>
      %dma_wait3A_705 = arith.constant 0 : i32
      %dma_wait3A_706 = tpu.memref_slice %arg5[%add3A_454, %dma_wait3A_705] : memref<512x50xi32, #tpu.memory_space<vmem>> -> memref<1x50xi32, #tpu.memory_space<vmem>>
      %dma_wait3A_707 = tpu.memref_squeeze %dma_wait3A_706 : memref<1x50xi32, #tpu.memory_space<vmem>> -> memref<50xi32, #tpu.memory_space<vmem>>
      %dma_wait3A_708 = arith.constant 0 : i32
      %dma_wait3A_709 = arith.constant 0 : i32
      %dma_wait3A_710 = tpu.memref_slice %arg2[%dma_wait3A_708, %dma_wait3A_709] : memref<1000000x64xf32, #tpu.memory_space<hbm>> -> memref<1000000x64xf32, #tpu.memory_space<hbm>>
      tpu.wait_indirect_dma semaphore(%arg8 : memref<!tpu.dma_semaphore, #tpu.memory_space<semaphore_mem>>) src(%dma_wait3A_710 : memref<1000000x64xf32, #tpu.memory_space<hbm>>) dst(%dma_wait3A_704 : memref<50x64xf32, #tpu.memory_space<vmem>>)
      %dma_wait3A_711 = arith.constant 2 : i32
      %dma_wait3A_712 = arith.constant 0 : i32
      %dma_wait3A_713 = arith.constant 0 : i32
      %dma_wait3A_714 = tpu.memref_slice %arg6[%dma_wait3A_711, %dma_wait3A_712, %dma_wait3A_713] : memref<8x50x64xf32, #tpu.memory_space<vmem>> -> memref<1x50x64xf32, #tpu.memory_space<vmem>>
      %dma_wait3A_715 = tpu.memref_squeeze %dma_wait3A_714 : memref<1x50x64xf32, #tpu.memory_space<vmem>> -> memref<50x64xf32, #tpu.memory_space<vmem>>
      %dma_wait3A_716 = arith.constant 0 : i32
      %dma_wait3A_717 = tpu.memref_slice %arg5[%add3A_469, %dma_wait3A_716] : memref<512x50xi32, #tpu.memory_space<vmem>> -> memref<1x50xi32, #tpu.memory_space<vmem>>
      %dma_wait3A_718 = tpu.memref_squeeze %dma_wait3A_717 : memref<1x50xi32, #tpu.memory_space<vmem>> -> memref<50xi32, #tpu.memory_space<vmem>>
      %dma_wait3A_719 = arith.constant 0 : i32
      %dma_wait3A_720 = arith.constant 0 : i32
      %dma_wait3A_721 = tpu.memref_slice %arg2[%dma_wait3A_719, %dma_wait3A_720] : memref<1000000x64xf32, #tpu.memory_space<hbm>> -> memref<1000000x64xf32, #tpu.memory_space<hbm>>
      tpu.wait_indirect_dma semaphore(%arg8 : memref<!tpu.dma_semaphore, #tpu.memory_space<semaphore_mem>>) src(%dma_wait3A_721 : memref<1000000x64xf32, #tpu.memory_space<hbm>>) dst(%dma_wait3A_715 : memref<50x64xf32, #tpu.memory_space<vmem>>)
      %dma_wait3A_722 = arith.constant 3 : i32
      %dma_wait3A_723 = arith.constant 0 : i32
      %dma_wait3A_724 = arith.constant 0 : i32
      %dma_wait3A_725 = tpu.memref_slice %arg6[%dma_wait3A_722, %dma_wait3A_723, %dma_wait3A_724] : memref<8x50x64xf32, #tpu.memory_space<vmem>> -> memref<1x50x64xf32, #tpu.memory_space<vmem>>
      %dma_wait3A_726 = tpu.memref_squeeze %dma_wait3A_725 : memref<1x50x64xf32, #tpu.memory_space<vmem>> -> memref<50x64xf32, #tpu.memory_space<vmem>>
      %dma_wait3A_727 = arith.constant 0 : i32
      %dma_wait3A_728 = tpu.memref_slice %arg5[%add3A_484, %dma_wait3A_727] : memref<512x50xi32, #tpu.memory_space<vmem>> -> memref<1x50xi32, #tpu.memory_space<vmem>>
      %dma_wait3A_729 = tpu.memref_squeeze %dma_wait3A_728 : memref<1x50xi32, #tpu.memory_space<vmem>> -> memref<50xi32, #tpu.memory_space<vmem>>
      %dma_wait3A_730 = arith.constant 0 : i32
      %dma_wait3A_731 = arith.constant 0 : i32
      %dma_wait3A_732 = tpu.memref_slice %arg2[%dma_wait3A_730, %dma_wait3A_731] : memref<1000000x64xf32, #tpu.memory_space<hbm>> -> memref<1000000x64xf32, #tpu.memory_space<hbm>>
      tpu.wait_indirect_dma semaphore(%arg8 : memref<!tpu.dma_semaphore, #tpu.memory_space<semaphore_mem>>) src(%dma_wait3A_732 : memref<1000000x64xf32, #tpu.memory_space<hbm>>) dst(%dma_wait3A_726 : memref<50x64xf32, #tpu.memory_space<vmem>>)
      %dma_wait3A_733 = arith.constant 4 : i32
      %dma_wait3A_734 = arith.constant 0 : i32
      %dma_wait3A_735 = arith.constant 0 : i32
      %dma_wait3A_736 = tpu.memref_slice %arg6[%dma_wait3A_733, %dma_wait3A_734, %dma_wait3A_735] : memref<8x50x64xf32, #tpu.memory_space<vmem>> -> memref<1x50x64xf32, #tpu.memory_space<vmem>>
      %dma_wait3A_737 = tpu.memref_squeeze %dma_wait3A_736 : memref<1x50x64xf32, #tpu.memory_space<vmem>> -> memref<50x64xf32, #tpu.memory_space<vmem>>
      %dma_wait3A_738 = arith.constant 0 : i32
      %dma_wait3A_739 = tpu.memref_slice %arg5[%add3A_499, %dma_wait3A_738] : memref<512x50xi32, #tpu.memory_space<vmem>> -> memref<1x50xi32, #tpu.memory_space<vmem>>
      %dma_wait3A_740 = tpu.memref_squeeze %dma_wait3A_739 : memref<1x50xi32, #tpu.memory_space<vmem>> -> memref<50xi32, #tpu.memory_space<vmem>>
      %dma_wait3A_741 = arith.constant 0 : i32
      %dma_wait3A_742 = arith.constant 0 : i32
      %dma_wait3A_743 = tpu.memref_slice %arg2[%dma_wait3A_741, %dma_wait3A_742] : memref<1000000x64xf32, #tpu.memory_space<hbm>> -> memref<1000000x64xf32, #tpu.memory_space<hbm>>
      tpu.wait_indirect_dma semaphore(%arg8 : memref<!tpu.dma_semaphore, #tpu.memory_space<semaphore_mem>>) src(%dma_wait3A_743 : memref<1000000x64xf32, #tpu.memory_space<hbm>>) dst(%dma_wait3A_737 : memref<50x64xf32, #tpu.memory_space<vmem>>)
      %dma_wait3A_744 = arith.constant 5 : i32
      %dma_wait3A_745 = arith.constant 0 : i32
      %dma_wait3A_746 = arith.constant 0 : i32
      %dma_wait3A_747 = tpu.memref_slice %arg6[%dma_wait3A_744, %dma_wait3A_745, %dma_wait3A_746] : memref<8x50x64xf32, #tpu.memory_space<vmem>> -> memref<1x50x64xf32, #tpu.memory_space<vmem>>
      %dma_wait3A_748 = tpu.memref_squeeze %dma_wait3A_747 : memref<1x50x64xf32, #tpu.memory_space<vmem>> -> memref<50x64xf32, #tpu.memory_space<vmem>>
      %dma_wait3A_749 = arith.constant 0 : i32
      %dma_wait3A_750 = tpu.memref_slice %arg5[%add3A_514, %dma_wait3A_749] : memref<512x50xi32, #tpu.memory_space<vmem>> -> memref<1x50xi32, #tpu.memory_space<vmem>>
      %dma_wait3A_751 = tpu.memref_squeeze %dma_wait3A_750 : memref<1x50xi32, #tpu.memory_space<vmem>> -> memref<50xi32, #tpu.memory_space<vmem>>
      %dma_wait3A_752 = arith.constant 0 : i32
      %dma_wait3A_753 = arith.constant 0 : i32
      %dma_wait3A_754 = tpu.memref_slice %arg2[%dma_wait3A_752, %dma_wait3A_753] : memref<1000000x64xf32, #tpu.memory_space<hbm>> -> memref<1000000x64xf32, #tpu.memory_space<hbm>>
      tpu.wait_indirect_dma semaphore(%arg8 : memref<!tpu.dma_semaphore, #tpu.memory_space<semaphore_mem>>) src(%dma_wait3A_754 : memref<1000000x64xf32, #tpu.memory_space<hbm>>) dst(%dma_wait3A_748 : memref<50x64xf32, #tpu.memory_space<vmem>>)
      %dma_wait3A_755 = arith.constant 6 : i32
      %dma_wait3A_756 = arith.constant 0 : i32
      %dma_wait3A_757 = arith.constant 0 : i32
      %dma_wait3A_758 = tpu.memref_slice %arg6[%dma_wait3A_755, %dma_wait3A_756, %dma_wait3A_757] : memref<8x50x64xf32, #tpu.memory_space<vmem>> -> memref<1x50x64xf32, #tpu.memory_space<vmem>>
      %dma_wait3A_759 = tpu.memref_squeeze %dma_wait3A_758 : memref<1x50x64xf32, #tpu.memory_space<vmem>> -> memref<50x64xf32, #tpu.memory_space<vmem>>
      %dma_wait3A_760 = arith.constant 0 : i32
      %dma_wait3A_761 = tpu.memref_slice %arg5[%add3A_529, %dma_wait3A_760] : memref<512x50xi32, #tpu.memory_space<vmem>> -> memref<1x50xi32, #tpu.memory_space<vmem>>
      %dma_wait3A_762 = tpu.memref_squeeze %dma_wait3A_761 : memref<1x50xi32, #tpu.memory_space<vmem>> -> memref<50xi32, #tpu.memory_space<vmem>>
      %dma_wait3A_763 = arith.constant 0 : i32
      %dma_wait3A_764 = arith.constant 0 : i32
      %dma_wait3A_765 = tpu.memref_slice %arg2[%dma_wait3A_763, %dma_wait3A_764] : memref<1000000x64xf32, #tpu.memory_space<hbm>> -> memref<1000000x64xf32, #tpu.memory_space<hbm>>
      tpu.wait_indirect_dma semaphore(%arg8 : memref<!tpu.dma_semaphore, #tpu.memory_space<semaphore_mem>>) src(%dma_wait3A_765 : memref<1000000x64xf32, #tpu.memory_space<hbm>>) dst(%dma_wait3A_759 : memref<50x64xf32, #tpu.memory_space<vmem>>)
      %dma_wait3A_766 = arith.constant 7 : i32
      %dma_wait3A_767 = arith.constant 0 : i32
      %dma_wait3A_768 = arith.constant 0 : i32
      %dma_wait3A_769 = tpu.memref_slice %arg6[%dma_wait3A_766, %dma_wait3A_767, %dma_wait3A_768] : memref<8x50x64xf32, #tpu.memory_space<vmem>> -> memref<1x50x64xf32, #tpu.memory_space<vmem>>
      %dma_wait3A_770 = tpu.memref_squeeze %dma_wait3A_769 : memref<1x50x64xf32, #tpu.memory_space<vmem>> -> memref<50x64xf32, #tpu.memory_space<vmem>>
      %dma_wait3A_771 = arith.constant 0 : i32
      %dma_wait3A_772 = tpu.memref_slice %arg5[%add3A_544, %dma_wait3A_771] : memref<512x50xi32, #tpu.memory_space<vmem>> -> memref<1x50xi32, #tpu.memory_space<vmem>>
      %dma_wait3A_773 = tpu.memref_squeeze %dma_wait3A_772 : memref<1x50xi32, #tpu.memory_space<vmem>> -> memref<50xi32, #tpu.memory_space<vmem>>
      %dma_wait3A_774 = arith.constant 0 : i32
      %dma_wait3A_775 = arith.constant 0 : i32
      %dma_wait3A_776 = tpu.memref_slice %arg2[%dma_wait3A_774, %dma_wait3A_775] : memref<1000000x64xf32, #tpu.memory_space<hbm>> -> memref<1000000x64xf32, #tpu.memory_space<hbm>>
      tpu.wait_indirect_dma semaphore(%arg8 : memref<!tpu.dma_semaphore, #tpu.memory_space<semaphore_mem>>) src(%dma_wait3A_776 : memref<1000000x64xf32, #tpu.memory_space<hbm>>) dst(%dma_wait3A_770 : memref<50x64xf32, #tpu.memory_space<vmem>>)
      %mul3A_777 = arith.constant 8 : i32
      %mul3A_778 = arith.muli %add3A_425, %mul3A_777 : i32
      %add3A_779 = arith.addi %mul3A_2, %mul3A_778 : i32
      %dma_start3A_780 = arith.constant 0 : i32
      %dma_start3A_781 = arith.constant 0 : i32
      %dma_start3A_782 = tpu.memref_slice %arg4[%add3A_779, %dma_start3A_780, %dma_start3A_781] : memref<16384x50x64xf32, #tpu.memory_space<hbm>> -> memref<8x50x64xf32, #tpu.memory_space<hbm>>
      %dma_start3A_783 = arith.constant 0 : i32
      %dma_start3A_784 = arith.constant 0 : i32
      %dma_start3A_785 = tpu.memref_slice %arg4[%add3A_779, %dma_start3A_783, %dma_start3A_784] : memref<16384x50x64xf32, #tpu.memory_space<hbm>> -> memref<8x50x64xf32, #tpu.memory_space<hbm>>
      tpu.enqueue_dma source(%arg6 : memref<8x50x64xf32, #tpu.memory_space<vmem>>) target(%dma_start3A_785 : memref<8x50x64xf32, #tpu.memory_space<hbm>>) target_semaphore(%arg10 : memref<!tpu.dma_semaphore, #tpu.memory_space<semaphore_mem>>)
      %add3A_786 = arith.constant 1 : i32
      %add3A_787 = arith.addi %add3A_425, %add3A_786 : i32
      %dma_wait3A_788 = arith.constant 0 : i32
      %dma_wait3A_789 = arith.constant 0 : i32
      %dma_wait3A_790 = arith.constant 0 : i32
      %dma_wait3A_791 = tpu.memref_slice %arg7[%dma_wait3A_788, %dma_wait3A_789, %dma_wait3A_790] : memref<8x50x64xf32, #tpu.memory_space<vmem>> -> memref<1x50x64xf32, #tpu.memory_space<vmem>>
      %dma_wait3A_792 = tpu.memref_squeeze %dma_wait3A_791 : memref<1x50x64xf32, #tpu.memory_space<vmem>> -> memref<50x64xf32, #tpu.memory_space<vmem>>
      %dma_wait3A_793 = arith.constant 0 : i32
      %dma_wait3A_794 = tpu.memref_slice %arg5[%add3A_572, %dma_wait3A_793] : memref<512x50xi32, #tpu.memory_space<vmem>> -> memref<1x50xi32, #tpu.memory_space<vmem>>
      %dma_wait3A_795 = tpu.memref_squeeze %dma_wait3A_794 : memref<1x50xi32, #tpu.memory_space<vmem>> -> memref<50xi32, #tpu.memory_space<vmem>>
      %dma_wait3A_796 = arith.constant 0 : i32
      %dma_wait3A_797 = arith.constant 0 : i32
      %dma_wait3A_798 = tpu.memref_slice %arg2[%dma_wait3A_796, %dma_wait3A_797] : memref<1000000x64xf32, #tpu.memory_space<hbm>> -> memref<1000000x64xf32, #tpu.memory_space<hbm>>
      tpu.wait_indirect_dma semaphore(%arg9 : memref<!tpu.dma_semaphore, #tpu.memory_space<semaphore_mem>>) src(%dma_wait3A_798 : memref<1000000x64xf32, #tpu.memory_space<hbm>>) dst(%dma_wait3A_792 : memref<50x64xf32, #tpu.memory_space<vmem>>)
      %dma_wait3A_799 = arith.constant 1 : i32
      %dma_wait3A_800 = arith.constant 0 : i32
      %dma_wait3A_801 = arith.constant 0 : i32
      %dma_wait3A_802 = tpu.memref_slice %arg7[%dma_wait3A_799, %dma_wait3A_800, %dma_wait3A_801] : memref<8x50x64xf32, #tpu.memory_space<vmem>> -> memref<1x50x64xf32, #tpu.memory_space<vmem>>
      %dma_wait3A_803 = tpu.memref_squeeze %dma_wait3A_802 : memref<1x50x64xf32, #tpu.memory_space<vmem>> -> memref<50x64xf32, #tpu.memory_space<vmem>>
      %dma_wait3A_804 = arith.constant 0 : i32
      %dma_wait3A_805 = tpu.memref_slice %arg5[%add3A_587, %dma_wait3A_804] : memref<512x50xi32, #tpu.memory_space<vmem>> -> memref<1x50xi32, #tpu.memory_space<vmem>>
      %dma_wait3A_806 = tpu.memref_squeeze %dma_wait3A_805 : memref<1x50xi32, #tpu.memory_space<vmem>> -> memref<50xi32, #tpu.memory_space<vmem>>
      %dma_wait3A_807 = arith.constant 0 : i32
      %dma_wait3A_808 = arith.constant 0 : i32
      %dma_wait3A_809 = tpu.memref_slice %arg2[%dma_wait3A_807, %dma_wait3A_808] : memref<1000000x64xf32, #tpu.memory_space<hbm>> -> memref<1000000x64xf32, #tpu.memory_space<hbm>>
      tpu.wait_indirect_dma semaphore(%arg9 : memref<!tpu.dma_semaphore, #tpu.memory_space<semaphore_mem>>) src(%dma_wait3A_809 : memref<1000000x64xf32, #tpu.memory_space<hbm>>) dst(%dma_wait3A_803 : memref<50x64xf32, #tpu.memory_space<vmem>>)
      %dma_wait3A_810 = arith.constant 2 : i32
      %dma_wait3A_811 = arith.constant 0 : i32
      %dma_wait3A_812 = arith.constant 0 : i32
      %dma_wait3A_813 = tpu.memref_slice %arg7[%dma_wait3A_810, %dma_wait3A_811, %dma_wait3A_812] : memref<8x50x64xf32, #tpu.memory_space<vmem>> -> memref<1x50x64xf32, #tpu.memory_space<vmem>>
      %dma_wait3A_814 = tpu.memref_squeeze %dma_wait3A_813 : memref<1x50x64xf32, #tpu.memory_space<vmem>> -> memref<50x64xf32, #tpu.memory_space<vmem>>
      %dma_wait3A_815 = arith.constant 0 : i32
      %dma_wait3A_816 = tpu.memref_slice %arg5[%add3A_602, %dma_wait3A_815] : memref<512x50xi32, #tpu.memory_space<vmem>> -> memref<1x50xi32, #tpu.memory_space<vmem>>
      %dma_wait3A_817 = tpu.memref_squeeze %dma_wait3A_816 : memref<1x50xi32, #tpu.memory_space<vmem>> -> memref<50xi32, #tpu.memory_space<vmem>>
      %dma_wait3A_818 = arith.constant 0 : i32
      %dma_wait3A_819 = arith.constant 0 : i32
      %dma_wait3A_820 = tpu.memref_slice %arg2[%dma_wait3A_818, %dma_wait3A_819] : memref<1000000x64xf32, #tpu.memory_space<hbm>> -> memref<1000000x64xf32, #tpu.memory_space<hbm>>
      tpu.wait_indirect_dma semaphore(%arg9 : memref<!tpu.dma_semaphore, #tpu.memory_space<semaphore_mem>>) src(%dma_wait3A_820 : memref<1000000x64xf32, #tpu.memory_space<hbm>>) dst(%dma_wait3A_814 : memref<50x64xf32, #tpu.memory_space<vmem>>)
      %dma_wait3A_821 = arith.constant 3 : i32
      %dma_wait3A_822 = arith.constant 0 : i32
      %dma_wait3A_823 = arith.constant 0 : i32
      %dma_wait3A_824 = tpu.memref_slice %arg7[%dma_wait3A_821, %dma_wait3A_822, %dma_wait3A_823] : memref<8x50x64xf32, #tpu.memory_space<vmem>> -> memref<1x50x64xf32, #tpu.memory_space<vmem>>
      %dma_wait3A_825 = tpu.memref_squeeze %dma_wait3A_824 : memref<1x50x64xf32, #tpu.memory_space<vmem>> -> memref<50x64xf32, #tpu.memory_space<vmem>>
      %dma_wait3A_826 = arith.constant 0 : i32
      %dma_wait3A_827 = tpu.memref_slice %arg5[%add3A_617, %dma_wait3A_826] : memref<512x50xi32, #tpu.memory_space<vmem>> -> memref<1x50xi32, #tpu.memory_space<vmem>>
      %dma_wait3A_828 = tpu.memref_squeeze %dma_wait3A_827 : memref<1x50xi32, #tpu.memory_space<vmem>> -> memref<50xi32, #tpu.memory_space<vmem>>
      %dma_wait3A_829 = arith.constant 0 : i32
      %dma_wait3A_830 = arith.constant 0 : i32
      %dma_wait3A_831 = tpu.memref_slice %arg2[%dma_wait3A_829, %dma_wait3A_830] : memref<1000000x64xf32, #tpu.memory_space<hbm>> -> memref<1000000x64xf32, #tpu.memory_space<hbm>>
      tpu.wait_indirect_dma semaphore(%arg9 : memref<!tpu.dma_semaphore, #tpu.memory_space<semaphore_mem>>) src(%dma_wait3A_831 : memref<1000000x64xf32, #tpu.memory_space<hbm>>) dst(%dma_wait3A_825 : memref<50x64xf32, #tpu.memory_space<vmem>>)
      %dma_wait3A_832 = arith.constant 4 : i32
      %dma_wait3A_833 = arith.constant 0 : i32
      %dma_wait3A_834 = arith.constant 0 : i32
      %dma_wait3A_835 = tpu.memref_slice %arg7[%dma_wait3A_832, %dma_wait3A_833, %dma_wait3A_834] : memref<8x50x64xf32, #tpu.memory_space<vmem>> -> memref<1x50x64xf32, #tpu.memory_space<vmem>>
      %dma_wait3A_836 = tpu.memref_squeeze %dma_wait3A_835 : memref<1x50x64xf32, #tpu.memory_space<vmem>> -> memref<50x64xf32, #tpu.memory_space<vmem>>
      %dma_wait3A_837 = arith.constant 0 : i32
      %dma_wait3A_838 = tpu.memref_slice %arg5[%add3A_632, %dma_wait3A_837] : memref<512x50xi32, #tpu.memory_space<vmem>> -> memref<1x50xi32, #tpu.memory_space<vmem>>
      %dma_wait3A_839 = tpu.memref_squeeze %dma_wait3A_838 : memref<1x50xi32, #tpu.memory_space<vmem>> -> memref<50xi32, #tpu.memory_space<vmem>>
      %dma_wait3A_840 = arith.constant 0 : i32
      %dma_wait3A_841 = arith.constant 0 : i32
      %dma_wait3A_842 = tpu.memref_slice %arg2[%dma_wait3A_840, %dma_wait3A_841] : memref<1000000x64xf32, #tpu.memory_space<hbm>> -> memref<1000000x64xf32, #tpu.memory_space<hbm>>
      tpu.wait_indirect_dma semaphore(%arg9 : memref<!tpu.dma_semaphore, #tpu.memory_space<semaphore_mem>>) src(%dma_wait3A_842 : memref<1000000x64xf32, #tpu.memory_space<hbm>>) dst(%dma_wait3A_836 : memref<50x64xf32, #tpu.memory_space<vmem>>)
      %dma_wait3A_843 = arith.constant 5 : i32
      %dma_wait3A_844 = arith.constant 0 : i32
      %dma_wait3A_845 = arith.constant 0 : i32
      %dma_wait3A_846 = tpu.memref_slice %arg7[%dma_wait3A_843, %dma_wait3A_844, %dma_wait3A_845] : memref<8x50x64xf32, #tpu.memory_space<vmem>> -> memref<1x50x64xf32, #tpu.memory_space<vmem>>
      %dma_wait3A_847 = tpu.memref_squeeze %dma_wait3A_846 : memref<1x50x64xf32, #tpu.memory_space<vmem>> -> memref<50x64xf32, #tpu.memory_space<vmem>>
      %dma_wait3A_848 = arith.constant 0 : i32
      %dma_wait3A_849 = tpu.memref_slice %arg5[%add3A_647, %dma_wait3A_848] : memref<512x50xi32, #tpu.memory_space<vmem>> -> memref<1x50xi32, #tpu.memory_space<vmem>>
      %dma_wait3A_850 = tpu.memref_squeeze %dma_wait3A_849 : memref<1x50xi32, #tpu.memory_space<vmem>> -> memref<50xi32, #tpu.memory_space<vmem>>
      %dma_wait3A_851 = arith.constant 0 : i32
      %dma_wait3A_852 = arith.constant 0 : i32
      %dma_wait3A_853 = tpu.memref_slice %arg2[%dma_wait3A_851, %dma_wait3A_852] : memref<1000000x64xf32, #tpu.memory_space<hbm>> -> memref<1000000x64xf32, #tpu.memory_space<hbm>>
      tpu.wait_indirect_dma semaphore(%arg9 : memref<!tpu.dma_semaphore, #tpu.memory_space<semaphore_mem>>) src(%dma_wait3A_853 : memref<1000000x64xf32, #tpu.memory_space<hbm>>) dst(%dma_wait3A_847 : memref<50x64xf32, #tpu.memory_space<vmem>>)
      %dma_wait3A_854 = arith.constant 6 : i32
      %dma_wait3A_855 = arith.constant 0 : i32
      %dma_wait3A_856 = arith.constant 0 : i32
      %dma_wait3A_857 = tpu.memref_slice %arg7[%dma_wait3A_854, %dma_wait3A_855, %dma_wait3A_856] : memref<8x50x64xf32, #tpu.memory_space<vmem>> -> memref<1x50x64xf32, #tpu.memory_space<vmem>>
      %dma_wait3A_858 = tpu.memref_squeeze %dma_wait3A_857 : memref<1x50x64xf32, #tpu.memory_space<vmem>> -> memref<50x64xf32, #tpu.memory_space<vmem>>
      %dma_wait3A_859 = arith.constant 0 : i32
      %dma_wait3A_860 = tpu.memref_slice %arg5[%add3A_662, %dma_wait3A_859] : memref<512x50xi32, #tpu.memory_space<vmem>> -> memref<1x50xi32, #tpu.memory_space<vmem>>
      %dma_wait3A_861 = tpu.memref_squeeze %dma_wait3A_860 : memref<1x50xi32, #tpu.memory_space<vmem>> -> memref<50xi32, #tpu.memory_space<vmem>>
      %dma_wait3A_862 = arith.constant 0 : i32
      %dma_wait3A_863 = arith.constant 0 : i32
      %dma_wait3A_864 = tpu.memref_slice %arg2[%dma_wait3A_862, %dma_wait3A_863] : memref<1000000x64xf32, #tpu.memory_space<hbm>> -> memref<1000000x64xf32, #tpu.memory_space<hbm>>
      tpu.wait_indirect_dma semaphore(%arg9 : memref<!tpu.dma_semaphore, #tpu.memory_space<semaphore_mem>>) src(%dma_wait3A_864 : memref<1000000x64xf32, #tpu.memory_space<hbm>>) dst(%dma_wait3A_858 : memref<50x64xf32, #tpu.memory_space<vmem>>)
      %dma_wait3A_865 = arith.constant 7 : i32
      %dma_wait3A_866 = arith.constant 0 : i32
      %dma_wait3A_867 = arith.constant 0 : i32
      %dma_wait3A_868 = tpu.memref_slice %arg7[%dma_wait3A_865, %dma_wait3A_866, %dma_wait3A_867] : memref<8x50x64xf32, #tpu.memory_space<vmem>> -> memref<1x50x64xf32, #tpu.memory_space<vmem>>
      %dma_wait3A_869 = tpu.memref_squeeze %dma_wait3A_868 : memref<1x50x64xf32, #tpu.memory_space<vmem>> -> memref<50x64xf32, #tpu.memory_space<vmem>>
      %dma_wait3A_870 = arith.constant 0 : i32
      %dma_wait3A_871 = tpu.memref_slice %arg5[%add3A_677, %dma_wait3A_870] : memref<512x50xi32, #tpu.memory_space<vmem>> -> memref<1x50xi32, #tpu.memory_space<vmem>>
      %dma_wait3A_872 = tpu.memref_squeeze %dma_wait3A_871 : memref<1x50xi32, #tpu.memory_space<vmem>> -> memref<50xi32, #tpu.memory_space<vmem>>
      %dma_wait3A_873 = arith.constant 0 : i32
      %dma_wait3A_874 = arith.constant 0 : i32
      %dma_wait3A_875 = tpu.memref_slice %arg2[%dma_wait3A_873, %dma_wait3A_874] : memref<1000000x64xf32, #tpu.memory_space<hbm>> -> memref<1000000x64xf32, #tpu.memory_space<hbm>>
      tpu.wait_indirect_dma semaphore(%arg9 : memref<!tpu.dma_semaphore, #tpu.memory_space<semaphore_mem>>) src(%dma_wait3A_875 : memref<1000000x64xf32, #tpu.memory_space<hbm>>) dst(%dma_wait3A_869 : memref<50x64xf32, #tpu.memory_space<vmem>>)
      %mul3A_876 = arith.constant 8 : i32
      %mul3A_877 = arith.muli %add3A_787, %mul3A_876 : i32
      %add3A_878 = arith.addi %mul3A_2, %mul3A_877 : i32
      %dma_start3A_879 = arith.constant 0 : i32
      %dma_start3A_880 = arith.constant 0 : i32
      %dma_start3A_881 = tpu.memref_slice %arg4[%add3A_878, %dma_start3A_879, %dma_start3A_880] : memref<16384x50x64xf32, #tpu.memory_space<hbm>> -> memref<8x50x64xf32, #tpu.memory_space<hbm>>
      %dma_start3A_882 = arith.constant 0 : i32
      %dma_start3A_883 = arith.constant 0 : i32
      %dma_start3A_884 = tpu.memref_slice %arg4[%add3A_878, %dma_start3A_882, %dma_start3A_883] : memref<16384x50x64xf32, #tpu.memory_space<hbm>> -> memref<8x50x64xf32, #tpu.memory_space<hbm>>
      tpu.enqueue_dma source(%arg7 : memref<8x50x64xf32, #tpu.memory_space<vmem>>) target(%dma_start3A_884 : memref<8x50x64xf32, #tpu.memory_space<hbm>>) target_semaphore(%arg11 : memref<!tpu.dma_semaphore, #tpu.memory_space<semaphore_mem>>)
    }
    %scan3A_404 = arith.constant 31 : i32
    %add3A_405 = arith.constant 496 : i32
    %add3A_406 = arith.addi %mul3A_2, %add3A_405 : i32
    %dma_wait3A_407 = arith.constant 0 : i32
    %dma_wait3A_408 = arith.constant 0 : i32
    %dma_wait3A_409 = tpu.memref_slice %arg4[%add3A_406, %dma_wait3A_407, %dma_wait3A_408] : memref<16384x50x64xf32, #tpu.memory_space<hbm>> -> memref<8x50x64xf32, #tpu.memory_space<hbm>>
    %dma_wait3A_410 = arith.constant 0 : i32
    %dma_wait3A_411 = arith.constant 0 : i32
    %dma_wait3A_412 = tpu.memref_slice %arg4[%add3A_406, %dma_wait3A_410, %dma_wait3A_411] : memref<16384x50x64xf32, #tpu.memory_space<hbm>> -> memref<8x50x64xf32, #tpu.memory_space<hbm>>
    tpu.wait_dma2 semaphore(%arg10 : memref<!tpu.dma_semaphore, #tpu.memory_space<semaphore_mem>>) src(%arg6 : memref<8x50x64xf32, #tpu.memory_space<vmem>>) dst(%dma_wait3A_412 : memref<8x50x64xf32, #tpu.memory_space<hbm>>)
    %add3A_413 = arith.constant 504 : i32
    %add3A_414 = arith.addi %mul3A_2, %add3A_413 : i32
    %dma_wait3A_415 = arith.constant 0 : i32
    %dma_wait3A_416 = arith.constant 0 : i32
    %dma_wait3A_417 = tpu.memref_slice %arg4[%add3A_414, %dma_wait3A_415, %dma_wait3A_416] : memref<16384x50x64xf32, #tpu.memory_space<hbm>> -> memref<8x50x64xf32, #tpu.memory_space<hbm>>
    %dma_wait3A_418 = arith.constant 0 : i32
    %dma_wait3A_419 = arith.constant 0 : i32
    %dma_wait3A_420 = tpu.memref_slice %arg4[%add3A_414, %dma_wait3A_418, %dma_wait3A_419] : memref<16384x50x64xf32, #tpu.memory_space<hbm>> -> memref<8x50x64xf32, #tpu.memory_space<hbm>>
    tpu.wait_dma2 semaphore(%arg11 : memref<!tpu.dma_semaphore, #tpu.memory_space<semaphore_mem>>) src(%arg7 : memref<8x50x64xf32, #tpu.memory_space<vmem>>) dst(%dma_wait3A_420 : memref<8x50x64xf32, #tpu.memory_space<hbm>>)
    return
  }
}

</mosaic_0001>

<sc_bundles>
// kernel: kernel.3.cloned.1.call-start
scs
__scs_entry_jumppad:
0x0: {  	(pc) =	sbr.rel $0x88, $3  }
0x1: {  	(tag) =	ssettag $0x0;
	lr =	simm.s32 $0x1  }
0x2: {  	[smem:$0x3F9F] =	sst lr;
	_ =	strace $0xD0000000  }
0x3: {  	_ = 	snop  }
0x4: {  	_ = 	snop  }
0x5: {  	_ = 	snop  }
0x6: {  	_ = 	snop  }
0x7: {  	_ = 	snop  }
__scs_overlays_trampoline_lowered:
0x8: {  	[smem:$0x3FAE] =	sst s0  }
0x9: {  	[smem:$0x3FAF] =	sst s1  }
0xa: {  	[smem:$0x3FB0] =	sst s2  }
0xb: {  	[smem:$0x3FB1] =	sst s3  }
0xc: {  	[smem:$0x3FB2] =	sst s4  }
0xd: {  	[smem:$0x3FB3] =	sst s5  }
0xe: {  	[smem:$0x3FB4] =	sst s6  }
0xf: {  	[smem:$0x3FB5] =	sst s7  }
0x10: {  	[smem:$0x3FB6] =	sst s8  }
0x11: {  	[smem:$0x3FB7] =	sst s9;
	s0 =	simm.s32 @!p0 $0x0  }
0x12: {  	s1 =	sld [smem:$0x3F9D];
	s0 =	simm.s32 @p0 $0x1  }
0x13: {  	[smem:$0x3FB8] =	sst s0;
	s0 =	simm.s32 @!p1 $0x0  }
0x14: {  	s2 =	sld [smem:$0x3F9C];
	s0 =	simm.s32 @p1 $0x1  }
0x15: {  	[smem:$0x3FB9] =	sst s0;
	s0 =	simm.s32 @!p2 $0x0  }
0x16: {  	s3 =	sld [smem:$0x3FDB];
	s0 =	simm.s32 @p2 $0x1  }
0x17: {  	s4 =	simm.s32 $0x1BF5;
	[smem:$0x3FBB] =	sst s0  }
0x18: {  	s0 =	sld [smem:$0x3F9E];
	_ =	swait.ge [sflag:s4], $0x0  }
0x19: {  	s7 =	sld [smem:$0x3F9F]  }
0x1a: {  	s8 =	sadd.s32 $0xFFFFE003, lr  }
0x1b: {  	s9 =	sadd.s32 $0xFFFFFEF7, lr;
	s5 =	simm.s32 $0xFFFFFFFF;
	p2 =	slt.u32 s8, $0xFFFFF086  }
0x1c: {  	p1 =	slt.u32 s9, $0xF7A;
	s5 =	simm.s32 @!p2 $0x0  }
0x1d: {  	s5 =	simm.s32 @p1 $0x1;
	p0 =	seq.s32 s7, s2  }
0x1e: {  	s7 =	smul.u32 @!p0 $0xF7A, s2;
	p2 =	seq.s32 @!p0 s5, $0x0  }
0x1f: {  	s9 =	smul.u32 $0xF7A, s1;
	s8 =	simm.s32 @!p0 $0x1BF5;
	p2 =	por !p2, p0  }
0x20: {  	[sflag:s8] =	ssyncset.s32 @!p0 $0xFFFFF086;
	s6 =	sadd.s32 @!p0 s3, s7;
	s7 =	simm.s32 @!p0 $0x108  }
0x21: {  	s3 =	sadd.s32 s3, s9;
	s6 =	sadd.s32 @!p0 $0x88, s6;
	s7 =	simm.s32 @p2 $0x1082  }
0x22: {  	[simem:s7], [sflag:s8] =	dma.local @!p0 [hbm:s6], $0xF7A  }
0x23: {  	s9 =	sor.u32 $0xD0000000, s2;
	s6 =	simm.s32 $0x108;
	_ =	swait.ge @!p0 [sflag:s8], $0x0  }
0x24: {  	s3 =	sadd.s32 $0x88, s3;
	s6 =	simm.s32 @!p1 $0x1082;
	[sflag:s4] =	ssyncset.s32 $0xFFFFF086  }
0x25: {  	[simem:s6], [sflag:s4] =	dma.local [hbm:s3], $0xF7A  }
0x26: {  	[smem:$0x3F9F] =	sst s1;
	(tag) =	ssettag s2;
	_ =	strace s9  }
0x27: {  	s1 =	sld [smem:$0x3FAF]  }
0x28: {  	s2 =	sld [smem:$0x3FB0]  }
0x29: {  	s4 =	sld [smem:$0x3FB2]  }
0x2a: {  	p0 =	seq.s32 s5, $0x0;
	s5 =	sld [smem:$0x3FB3]  }
0x2b: {  	s6 =	sld [smem:$0x3FB4]  }
0x2c: {  	s7 =	sld [smem:$0x3FB5]  }
0x2d: {  	s3 =	simm.s32 $0x108;
	s8 =	sld [smem:$0x3FB6]  }
0x2e: {  	s3 =	simm.s32 @!p0 $0x1082;
	s9 =	sld [smem:$0x3FB7]  }
0x2f: {  	lr =	sadd.s32 s0, s3;
	s0 =	sld [smem:$0x3FAE]  }
0x30: {  	s3 =	sld [smem:$0x3FB1]  }
0x31: {  	[smem:$0x3FBA] =	sst s10  }
0x32: {  	s10 =	sld [smem:$0x3FB8];
	_ =	sdelay $0x3  }
0x33: {  	p0 =	seq.s32 s10, $0x1;
	s10 =	sld [smem:$0x3FBA];
	_ =	sdelay $0x3  }
0x34: {  	[smem:$0x3FBA] =	sst s10  }
0x35: {  	s10 =	sld [smem:$0x3FB9];
	_ =	sdelay $0x3  }
0x36: {  	p1 =	seq.s32 s10, $0x1;
	s10 =	sld [smem:$0x3FBA];
	_ =	sdelay $0x3  }
0x37: {  	[smem:$0x3FBA] =	sst s10  }
0x38: {  	s10 =	sld [smem:$0x3FBB]  }
0x39: {  	_ = 	snop;
	(pc) =	sbr.ind lr, $3  }
0x3a: {  	_ = 	snop  }
0x3b: {  	_ = 	snop  }
0x3c: {  	p2 =	seq.s32 s10, $0x1;
	s10 =	sld [smem:$0x3FBA]  }
0x3d: {  	_ =	shalt  }
0x3e: {  	_ =	shalt  }
0x3f: {  	_ =	shalt  }
0x40: {  	_ =	shalt  }
0x41: {  	_ =	shalt  }
0x42: {  	_ =	shalt  }
0x43: {  	_ =	shalt  }
0x44: {  	_ =	shalt  }
0x45: {  	_ =	shalt  }
0x46: {  	_ =	shalt  }
0x47: {  	_ =	shalt  }
0x48: {  	_ =	shalt  }
0x49: {  	_ =	shalt  }
0x4a: {  	_ =	shalt  }
0x4b: {  	_ =	shalt  }
0x4c: {  	_ =	shalt  }
0x4d: {  	_ =	shalt  }
0x4e: {  	_ =	shalt  }
0x4f: {  	_ =	shalt  }
0x50: {  	_ =	shalt  }
0x51: {  	_ =	shalt  }
0x52: {  	_ =	shalt  }
0x53: {  	_ =	shalt  }
0x54: {  	_ =	shalt  }
0x55: {  	_ =	shalt  }
0x56: {  	_ =	shalt  }
0x57: {  	_ =	shalt  }
0x58: {  	_ =	shalt  }
0x59: {  	_ =	shalt  }
0x5a: {  	_ =	shalt  }
0x5b: {  	_ =	shalt  }
0x5c: {  	_ =	shalt  }
0x5d: {  	_ =	shalt  }
0x5e: {  	_ =	shalt  }
0x5f: {  	_ =	shalt  }
0x60: {  	_ =	shalt  }
0x61: {  	_ =	shalt  }
0x62: {  	_ =	shalt  }
0x63: {  	_ =	shalt  }
0x64: {  	_ =	shalt  }
0x65: {  	_ =	shalt  }
0x66: {  	_ =	shalt  }
0x67: {  	_ =	shalt  }
0x68: {  	_ =	shalt  }
0x69: {  	_ =	shalt  }
0x6a: {  	_ =	shalt  }
0x6b: {  	_ =	shalt  }
0x6c: {  	_ =	shalt  }
0x6d: {  	_ =	shalt  }
0x6e: {  	_ =	shalt  }
0x6f: {  	_ =	shalt  }
0x70: {  	_ =	shalt  }
0x71: {  	_ =	shalt  }
0x72: {  	_ =	shalt  }
0x73: {  	_ =	shalt  }
0x74: {  	_ =	shalt  }
0x75: {  	_ =	shalt  }
0x76: {  	_ =	shalt  }
0x77: {  	_ =	shalt  }
0x78: {  	_ =	shalt  }
0x79: {  	_ =	shalt  }
0x7a: {  	_ =	shalt  }
0x7b: {  	_ =	shalt  }
0x7c: {  	_ =	shalt  }
0x7d: {  	_ =	shalt  }
0x7e: {  	_ =	shalt  }
0x7f: {  	_ =	shalt  }
0x80: {  	_ =	shalt  }
0x81: {  	_ =	shalt  }
0x82: {  	_ =	shalt  }
0x83: {  	_ =	shalt  }
0x84: {  	_ =	shalt  }
0x85: {  	_ =	shalt  }
0x86: {  	_ =	shalt  }
0x87: {  	_ =	shalt  }
.Lfunc_end0:
.L_simem_size_0:
called_computation.1_lowered:
.L_overlay_start_0:
0x88: {  	s2 =	sld [smem:$0x3FD9]  }
0x89: {  	s3 =	sld [smem:$0x3FFE];
	_ =	sdelay $0x1  }
0x8a: {  	s1 =	srdreg.scid  }
0x8b: {  	s0 =	sand.u32 $0x1, s1  }
0x8c: {  	s17 =	sshll.u32 s0, $0xA;
	s2 =	sadd.s32 s3, s2  }
0x8d: {  	s2 =	sadd.s32 s2, s17  }
0x8e: {  	[smem:$0x3FC6] =	sst s2  }
0x8f: {  	_ = 	snop  }
0x90: {  	s2 =	sld [smem:$0x3FD0];
	(tm) =	ssettm $0x1  }
0x91: {  	s18 =	sld [smem:$0x3FFB];
	_ =	sdelay $0x3  }
0x92: {  	_ =	strace s18  }
0x93: {  	s3 =	sld [smem:$0x3FFC];
	_ =	sdelay $0x3  }
0x94: {  	_ =	strace s3  }
0x95: {  	s3 =	sld [smem:$0x3FFD];
	_ =	sdelay $0x3  }
0x96: {  	_ =	strace s3  }
0x97: {  	_ =	strace $0x8FFFFFFF  }
0x98: {  	s19 =	sld [smem:$0x3FDB];
	_ =	sdelay $0x1  }
0x99: {  	s4 =	simm.s32 $_scs_section_size  }
0x9a: {  	s5 =	simm.s32 $_size__tile_overlayer_lowered;
	s6 =	simm.s32 $_tile_overlayer_lowered  }
0x9b: {  	s22 =	simm.s32 $0x1BFF;
	s21 =	sshll.u32 s6, $0x1;
	s3 =	sadd.s32 s4, s19  }
0x9c: {  	s7 =	simm.s32 $0x0;
	s20 =	sshll.u32 s5, $0x1;
	s5 =	sadd.s32 s21, s3  }
0x9d: {  	[timem:s7], [sflag:s22] =	dma.local [hbm:s5], s20  }
0x9e: {  	_ =	swait.ge [sflag:s22], s20  }
0x9f: {  	s4 =	ssub.s32 $0x0, s20;
	[sflag:s22] =	ssyncset.done $0x0  }
0xa0: {  	[sflag:s22] =	ssyncadd.s32 s4;
	_ =	sdelay $0x1  }
0xa1: {  	s23 =	simm.s32 $0x1B8B  }
0xa2: {  	_ =	swait.ge [sflag:s23], $0x1  }
0xa3: {  	[sflag:s23] =	ssyncset.done $0x0  }
0xa4: {  	s25 =	simm.s32 $0x1B8E;
	s24 =	sld [smem:$0x3FFE];
	[sflag:s23] =	ssyncadd.s32 $0xFFFFFFFF  }
0xa5: {  	s26 =	simm.s32 $execute0_lowered;
	[smem:$0x3FD2] =	sst s25  }
0xa6: {  	s5 =	sshll.u32 s26, $0x1;
	_ =	strace $0x80000046;
	[dreg:$0x1] =	wrdreg $0xFFFFFFFF  }
0xa7: {  	s28 =	simm.s32 $_size_execute0_lowered;
	s3 =	sadd.s32 s3, s5;
	[dreg:$0x0] =	wrdreg $0x0  }
0xa8: {  	s5 =	sshll.u32 s28, $0x1;
	[dreg:$0x2] =	wrdreg s3  }
0xa9: {  	[dreg:$0x3] =	wrdreg s5  }
0xaa: {  	[dreg:$0x4] =	wrdreg $0xC0  }
0xab: {  	_ =	task [dreg:s7], $0x5FFFF  }
0xac: {  	[dreg:$0x1] =	wrdreg $0xFFFFFFFF  }
0xad: {  	[dreg:$0x0] =	wrdreg $0x60  }
0xae: {  	[dreg:$0x2] =	wrdreg s24  }
0xaf: {  	[dreg:$0x3] =	wrdreg s2  }
0xb0: {  	[dreg:$0x4] =	wrdreg $0x9  }
0xb1: {  	_ =	task.clear_ibuf [dreg:s7], $0x5FFFF;
	_ =	strace $0x90000046  }
0xb2: {  	s29 =	simm.s32 $0x9;
	_ =	strace $0x80000048  }
0xb3: {  	_ =	swait.ge [sflag:s29], $0x1  }
0xb4: {  	[sflag:s29] =	ssyncadd.s32 $0xFFFFFFFF  }
0xb5: {  	_ =	strace $0x90000048  }
0xb6: {  	_ =	sfence  }
0xb7: {  	s30 =	sld [smem:$0x0];
	_ =	sdelay $0x2  }
0xb8: {  	s31 =	sshll.u32 s1, $0xD;
	s1 =	sshrl.u32 s1, $0x2  }
0xb9: {  	s3 =	sand.u32 $0x4000, s31;
	s1 =	sadd.s32 s1, s30  }
0xba: {  	s0 =	sor.u32 s3, s0;
	s1 =	sshll.u32 s1, $0x11  }
0xbb: {  	s0 =	sor.u32 s1, s0  }
0xbc: {  	s0 =	sadd.s32 $0x8F2B, s0  }
0xbd: {  	[sflag:s0] =	ssyncadd.remote.s32 $0x1  }
0xbe: {  	_ =	sfence.sel $0xFFFF  }
0xbf: {  	[dreg:$0x0] =	wrdreg $0xFFFFFFFF;
	(pc) =	sbr.abs _section_cstart, $3  }
0xc0: {  	[dreg:$0x1] =	wrdreg $0xFFFFFFFF  }
0xc1: {  	_ =	task.clear_ibuf [dreg:s7], $0x2FFFF;
	_ =	strace $0x9FFFFFFF  }
0xc2: {  	(tm) =	ssettm $0x7FFFFFFF  }
0xc3: {  	_ =	shalt  }
tec
execute0_lowered:
.L_overlay_start_1:
0x0: {  	(tag) =	ssettag $0x1  }
0x1: {  	s0 =	rddreg [dreg:$0x0];
	s1 =	srdreg.scid  }
0x2: {  	s9 =	stileid.u32;
	s4 =	rddreg [dreg:$0x1]  }
0x3: {  	s2 =	simm.s32 $0x0;
	s10 =	simm.s32 $0x32;
	s11 =	simm.s32 $0x7000  }
0x4: {  	s13 =	simm.s32 $0x7C80;
	s15 =	simm.s32 $0x8900;
	s17 =	simm.s32 $0x9580  }
0x5: {  	s19 =	simm.s32 $0xA200;
	s21 =	simm.s32 $0xAE80;
	s23 =	simm.s32 $0xBB00  }
0x6: {  	s28 =	simm.s32 $0xD400;
	s30 =	simm.s32 $0xE080;
	s12 =	simm.s32 $0xF980  }
0x7: {  	s16 =	simm.s32 $0x10600;
	s20 =	simm.s32 $0x11280;
	s29 =	simm.s32 $0x12B80  }
0x8: {  	s31 =	simm.s32 $0x1;
	s14 =	simm.s32 $0x3;
	s18 =	simm.s32 $0x4  }
0x9: {  	s22 =	simm.s32 $0x0;
	s1 =	sand.u32 $0x1, s1;
	s3 =	sshll.u32 s9, $0x1  }
0xa: {  	s9 =	smul.u32 $0x64000, s9;
	s3 =	sor.u32 s1, s3;
	s6 =	ssub.s32 $0x2, s1  }
0xb: {  	[smem:$0x7FF] =	sst s2;
	s5 =	smul.u32 $0xE00, s3;
	s8 =	sshrl.u32 s6, $0x1  }
0xc: {  	_ =	strace $0x80000047;
	s7 =	smul.u32 $0x32000, s3;
	s6 =	ssub.s32 s6, s8  }
0xd: {  	s3 =	sadd.s32 $0xF42E00, s0;
	s0 =	sadd.s32 s5, s0;
	s26 =	smax.u32 s6, $0x1  }
0xe: {  	s5 =	sadd.s32 s4, s7;
	s0 =	sadd.s32 $0xA00, s0;
	[dreg:$0x5] =	wrdreg s26  }
0xf: {  	s1 =	smul.u32 $0x32000, s1;
	s25 =	sadd.s32 $0xC80, s5;
	[dreg:$0x3] =	wrdreg s0  }
0x10: {  	s24 =	sadd.s32 s9, s4;
	s9 =	simm.s32 $0x5;
	[dreg:$0x4] =	wrdreg s25  }
0x11: {  	s0 =	sadd.s32 s1, s24;
	s25 =	simm.s32 $0xC780;
	s1 =	simm.s32 $0xED00  }
0x12: {  	s24 =	simm.s32 $0x11F00;
	s8 =	sadd.s32 $0x1900, s0;
	s0 =	simm.s32 $0x2  }
.LBB2_1:
0x13: {  	s4 =	rddreg [dreg:$0x3]  }
0x14: {  	[tilespmem:s2], [sflag:$0x5] =	stream.linear.gather [hbm4b:s4+s2], $0x7000, $0x38;
	[tilespmem:$0x13800] =	vst v63  }
0x15: {  	_ =	swait.ge [sflag:s9], $0x7000  }
0x16: {  	[sflag:s9] =	ssyncset.done $0x0  }
0x17: {  	[sflag:s9] =	ssyncadd.s32 $0xFFFF9000  }
0x18: {  	[tilespmem:s11], [sflag:$0x1] =	stream.indirect.gather [hbm4b:s3+s10], $0x40, s2, s10, $0xb8;
	[tilespmem:$0x13800] =	vst v63  }
0x19: {  	s7 =	simm.s32 $0x38  }
0x1a: {  	[tilespmem:s13], [sflag:$0x1] =	stream.indirect.gather [hbm4b:s3+s10], $0x40, s7, s10, $0xb8;
	[tilespmem:$0x13800] =	vst v63  }
0x1b: {  	s26 =	simm.s32 $0x70  }
0x1c: {  	[tilespmem:s15], [sflag:$0x1] =	stream.indirect.gather [hbm4b:s3+s10], $0x40, s26, s10, $0xb8;
	[tilespmem:$0x13800] =	vst v63  }
0x1d: {  	s6 =	simm.s32 $0xA8  }
0x1e: {  	[tilespmem:s17], [sflag:$0x1] =	stream.indirect.gather [hbm4b:s3+s10], $0x40, s6, s10, $0xb8;
	[tilespmem:$0x13800] =	vst v63  }
0x1f: {  	s7 =	simm.s32 $0xE0  }
0x20: {  	[tilespmem:s19], [sflag:$0x1] =	stream.indirect.gather [hbm4b:s3+s10], $0x40, s7, s10, $0xb8;
	[tilespmem:$0x13800] =	vst v63  }
0x21: {  	s26 =	simm.s32 $0x118  }
0x22: {  	[tilespmem:s21], [sflag:$0x1] =	stream.indirect.gather [hbm4b:s3+s10], $0x40, s26, s10, $0xb8;
	[tilespmem:$0x13800] =	vst v63  }
0x23: {  	s6 =	simm.s32 $0x150  }
0x24: {  	[tilespmem:s23], [sflag:$0x1] =	stream.indirect.gather [hbm4b:s3+s10], $0x40, s6, s10, $0xb8;
	[tilespmem:$0x13800] =	vst v63  }
0x25: {  	s7 =	simm.s32 $0x188  }
0x26: {  	[tilespmem:s25], [sflag:$0x1] =	stream.indirect.gather [hbm4b:s3+s10], $0x40, s7, s10, $0xb8;
	[tilespmem:$0x13800] =	vst v63  }
0x27: {  	s26 =	simm.s32 $0x1C0  }
0x28: {  	[tilespmem:s28], [sflag:$0x2] =	stream.indirect.gather [hbm4b:s3+s10], $0x40, s26, s10, $0xb8;
	[tilespmem:$0x13800] =	vst v63  }
0x29: {  	s6 =	simm.s32 $0x1F8  }
0x2a: {  	[tilespmem:s30], [sflag:$0x2] =	stream.indirect.gather [hbm4b:s3+s10], $0x40, s6, s10, $0xb8;
	[tilespmem:$0x13800] =	vst v63  }
0x2b: {  	s7 =	simm.s32 $0x230  }
0x2c: {  	[tilespmem:s1], [sflag:$0x2] =	stream.indirect.gather [hbm4b:s3+s10], $0x40, s7, s10, $0xb8;
	[tilespmem:$0x13800] =	vst v63  }
0x2d: {  	s26 =	simm.s32 $0x268  }
0x2e: {  	[tilespmem:s12], [sflag:$0x2] =	stream.indirect.gather [hbm4b:s3+s10], $0x40, s26, s10, $0xb8;
	[tilespmem:$0x13800] =	vst v63  }
0x2f: {  	s6 =	simm.s32 $0x2A0  }
0x30: {  	[tilespmem:s16], [sflag:$0x2] =	stream.indirect.gather [hbm4b:s3+s10], $0x40, s6, s10, $0xb8;
	[tilespmem:$0x13800] =	vst v63  }
0x31: {  	s7 =	simm.s32 $0x2D8  }
0x32: {  	[tilespmem:s20], [sflag:$0x2] =	stream.indirect.gather [hbm4b:s3+s10], $0x40, s7, s10, $0xb8;
	[tilespmem:$0x13800] =	vst v63  }
0x33: {  	s26 =	simm.s32 $0x310  }
0x34: {  	[tilespmem:s24], [sflag:$0x2] =	stream.indirect.gather [hbm4b:s3+s10], $0x40, s26, s10, $0xb8;
	[tilespmem:$0x13800] =	vst v63  }
0x35: {  	s6 =	simm.s32 $0x348  }
0x36: {  	[tilespmem:s29], [sflag:$0x2] =	stream.indirect.gather [hbm4b:s3+s10], $0x40, s6, s10, $0xb8;
	[tilespmem:$0x13800] =	vst v63  }
0x37: {  	_ =	swait.ge [sflag:s31], $0xC80  }
0x38: {  	[sflag:s31] =	ssyncset.done $0x0  }
0x39: {  	[sflag:s31] =	ssyncadd.s32 $0xFFFFF380  }
0x3a: {  	_ =	swait.ge [sflag:s31], $0xC80  }
0x3b: {  	[sflag:s31] =	ssyncset.done $0x0  }
0x3c: {  	[sflag:s31] =	ssyncadd.s32 $0xFFFFF380  }
0x3d: {  	_ =	swait.ge [sflag:s31], $0xC80  }
0x3e: {  	[sflag:s31] =	ssyncset.done $0x0  }
0x3f: {  	[sflag:s31] =	ssyncadd.s32 $0xFFFFF380  }
0x40: {  	_ =	swait.ge [sflag:s31], $0xC80  }
0x41: {  	[sflag:s31] =	ssyncset.done $0x0  }
0x42: {  	[sflag:s31] =	ssyncadd.s32 $0xFFFFF380  }
0x43: {  	_ =	swait.ge [sflag:s31], $0xC80  }
0x44: {  	[sflag:s31] =	ssyncset.done $0x0  }
0x45: {  	[sflag:s31] =	ssyncadd.s32 $0xFFFFF380  }
0x46: {  	_ =	swait.ge [sflag:s31], $0xC80  }
0x47: {  	[sflag:s31] =	ssyncset.done $0x0  }
0x48: {  	[sflag:s31] =	ssyncadd.s32 $0xFFFFF380  }
0x49: {  	_ =	swait.ge [sflag:s31], $0xC80  }
0x4a: {  	[sflag:s31] =	ssyncset.done $0x0  }
0x4b: {  	[sflag:s31] =	ssyncadd.s32 $0xFFFFF380  }
0x4c: {  	_ =	swait.ge [sflag:s31], $0xC80  }
0x4d: {  	[sflag:s31] =	ssyncset.done $0x0  }
0x4e: {  	[sflag:s31] =	ssyncadd.s32 $0xFFFFF380  }
0x4f: {  	[hbm4b:s5+s2] =	stream.linear.scatter [tilespmem:s11], [sflag:$0x3], $0x6400, $0x38;
	[tilespmem:$0x13800] =	vst v63  }
0x50: {  	_ =	swait.ge [sflag:s0], $0xC80  }
0x51: {  	[sflag:s0] =	ssyncset.done $0x0  }
0x52: {  	[sflag:s0] =	ssyncadd.s32 $0xFFFFF380  }
0x53: {  	_ =	swait.ge [sflag:s0], $0xC80  }
0x54: {  	[sflag:s0] =	ssyncset.done $0x0  }
0x55: {  	[sflag:s0] =	ssyncadd.s32 $0xFFFFF380  }
0x56: {  	_ =	swait.ge [sflag:s0], $0xC80  }
0x57: {  	[sflag:s0] =	ssyncset.done $0x0  }
0x58: {  	[sflag:s0] =	ssyncadd.s32 $0xFFFFF380  }
0x59: {  	_ =	swait.ge [sflag:s0], $0xC80  }
0x5a: {  	[sflag:s0] =	ssyncset.done $0x0  }
0x5b: {  	[sflag:s0] =	ssyncadd.s32 $0xFFFFF380  }
0x5c: {  	_ =	swait.ge [sflag:s0], $0xC80  }
0x5d: {  	[sflag:s0] =	ssyncset.done $0x0  }
0x5e: {  	[sflag:s0] =	ssyncadd.s32 $0xFFFFF380  }
0x5f: {  	_ =	swait.ge [sflag:s0], $0xC80  }
0x60: {  	[sflag:s0] =	ssyncset.done $0x0  }
0x61: {  	[sflag:s0] =	ssyncadd.s32 $0xFFFFF380  }
0x62: {  	_ =	swait.ge [sflag:s0], $0xC80  }
0x63: {  	[sflag:s0] =	ssyncset.done $0x0  }
0x64: {  	[sflag:s0] =	ssyncadd.s32 $0xFFFFF380  }
0x65: {  	_ =	swait.ge [sflag:s0], $0xC80  }
0x66: {  	[sflag:s0] =	ssyncset.done $0x0  }
0x67: {  	s7 =	rddreg [dreg:$0x4];
	[sflag:s0] =	ssyncadd.s32 $0xFFFFF380  }
0x68: {  	[hbm4b:s7+s2] =	stream.linear.scatter [tilespmem:s28], [sflag:$0x4], $0x6400, $0x38;
	[tilespmem:$0x13800] =	vst v63  }
0x69: {  	_ =	swait.ge [sflag:s14], $0x6400  }
0x6a: {  	[sflag:s14] =	ssyncset.done $0x0  }
0x6b: {  	s26 =	simm.s32 $0x380;
	[sflag:s14] =	ssyncadd.s32 $0xFFFF9C00  }
0x6c: {  	[tilespmem:s11], [sflag:$0x1] =	stream.indirect.gather [hbm4b:s3+s10], $0x40, s26, s10, $0xb8;
	[tilespmem:$0x13800] =	vst v63  }
0x6d: {  	s6 =	simm.s32 $0x3B8  }
0x6e: {  	[tilespmem:s13], [sflag:$0x1] =	stream.indirect.gather [hbm4b:s3+s10], $0x40, s6, s10, $0xb8;
	[tilespmem:$0x13800] =	vst v63  }
0x6f: {  	s7 =	simm.s32 $0x3F0  }
0x70: {  	[tilespmem:s15], [sflag:$0x1] =	stream.indirect.gather [hbm4b:s3+s10], $0x40, s7, s10, $0xb8;
	[tilespmem:$0x13800] =	vst v63  }
0x71: {  	s26 =	simm.s32 $0x428  }
0x72: {  	[tilespmem:s17], [sflag:$0x1] =	stream.indirect.gather [hbm4b:s3+s10], $0x40, s26, s10, $0xb8;
	[tilespmem:$0x13800] =	vst v63  }
0x73: {  	s6 =	simm.s32 $0x460  }
0x74: {  	[tilespmem:s19], [sflag:$0x1] =	stream.indirect.gather [hbm4b:s3+s10], $0x40, s6, s10, $0xb8;
	[tilespmem:$0x13800] =	vst v63  }
0x75: {  	s7 =	simm.s32 $0x498  }
0x76: {  	[tilespmem:s21], [sflag:$0x1] =	stream.indirect.gather [hbm4b:s3+s10], $0x40, s7, s10, $0xb8;
	[tilespmem:$0x13800] =	vst v63  }
0x77: {  	s26 =	simm.s32 $0x4D0  }
0x78: {  	[tilespmem:s23], [sflag:$0x1] =	stream.indirect.gather [hbm4b:s3+s10], $0x40, s26, s10, $0xb8;
	[tilespmem:$0x13800] =	vst v63  }
0x79: {  	s6 =	simm.s32 $0x508  }
0x7a: {  	[tilespmem:s25], [sflag:$0x1] =	stream.indirect.gather [hbm4b:s3+s10], $0x40, s6, s10, $0xb8;
	[tilespmem:$0x13800] =	vst v63  }
0x7b: {  	_ =	swait.ge [sflag:s18], $0x6400  }
0x7c: {  	[sflag:s18] =	ssyncset.done $0x0  }
0x7d: {  	s7 =	simm.s32 $0x540;
	[sflag:s18] =	ssyncadd.s32 $0xFFFF9C00  }
0x7e: {  	[tilespmem:s28], [sflag:$0x2] =	stream.indirect.gather [hbm4b:s3+s10], $0x40, s7, s10, $0xb8;
	[tilespmem:$0x13800] =	vst v63  }
0x7f: {  	s26 =	simm.s32 $0x578  }
0x80: {  	[tilespmem:s30], [sflag:$0x2] =	stream.indirect.gather [hbm4b:s3+s10], $0x40, s26, s10, $0xb8;
	[tilespmem:$0x13800] =	vst v63  }
0x81: {  	s6 =	simm.s32 $0x5B0  }
0x82: {  	[tilespmem:s1], [sflag:$0x2] =	stream.indirect.gather [hbm4b:s3+s10], $0x40, s6, s10, $0xb8;
	[tilespmem:$0x13800] =	vst v63  }
0x83: {  	s7 =	simm.s32 $0x5E8  }
0x84: {  	[tilespmem:s12], [sflag:$0x2] =	stream.indirect.gather [hbm4b:s3+s10], $0x40, s7, s10, $0xb8;
	[tilespmem:$0x13800] =	vst v63  }
0x85: {  	s26 =	simm.s32 $0x620  }
0x86: {  	[tilespmem:s16], [sflag:$0x2] =	stream.indirect.gather [hbm4b:s3+s10], $0x40, s26, s10, $0xb8;
	[tilespmem:$0x13800] =	vst v63  }
0x87: {  	s6 =	simm.s32 $0x658  }
0x88: {  	[tilespmem:s20], [sflag:$0x2] =	stream.indirect.gather [hbm4b:s3+s10], $0x40, s6, s10, $0xb8;
	[tilespmem:$0x13800] =	vst v63  }
0x89: {  	s7 =	simm.s32 $0x690  }
0x8a: {  	[tilespmem:s24], [sflag:$0x2] =	stream.indirect.gather [hbm4b:s3+s10], $0x40, s7, s10, $0xb8;
	[tilespmem:$0x13800] =	vst v63  }
0x8b: {  	s26 =	simm.s32 $0x6C8  }
0x8c: {  	[tilespmem:s29], [sflag:$0x2] =	stream.indirect.gather [hbm4b:s3+s10], $0x40, s26, s10, $0xb8;
	[tilespmem:$0x13800] =	vst v63  }
0x8d: {  	_ =	swait.ge [sflag:s31], $0xC80  }
0x8e: {  	[sflag:s31] =	ssyncset.done $0x0  }
0x8f: {  	[sflag:s31] =	ssyncadd.s32 $0xFFFFF380  }
0x90: {  	_ =	swait.ge [sflag:s31], $0xC80  }
0x91: {  	[sflag:s31] =	ssyncset.done $0x0  }
0x92: {  	[sflag:s31] =	ssyncadd.s32 $0xFFFFF380  }
0x93: {  	_ =	swait.ge [sflag:s31], $0xC80  }
0x94: {  	[sflag:s31] =	ssyncset.done $0x0  }
0x95: {  	[sflag:s31] =	ssyncadd.s32 $0xFFFFF380  }
0x96: {  	_ =	swait.ge [sflag:s31], $0xC80  }
0x97: {  	[sflag:s31] =	ssyncset.done $0x0  }
0x98: {  	[sflag:s31] =	ssyncadd.s32 $0xFFFFF380  }
0x99: {  	_ =	swait.ge [sflag:s31], $0xC80  }
0x9a: {  	[sflag:s31] =	ssyncset.done $0x0  }
0x9b: {  	[sflag:s31] =	ssyncadd.s32 $0xFFFFF380  }
0x9c: {  	_ =	swait.ge [sflag:s31], $0xC80  }
0x9d: {  	[sflag:s31] =	ssyncset.done $0x0  }
0x9e: {  	[sflag:s31] =	ssyncadd.s32 $0xFFFFF380  }
0x9f: {  	_ =	swait.ge [sflag:s31], $0xC80  }
0xa0: {  	[sflag:s31] =	ssyncset.done $0x0  }
0xa1: {  	[sflag:s31] =	ssyncadd.s32 $0xFFFFF380  }
0xa2: {  	_ =	swait.ge [sflag:s31], $0xC80  }
0xa3: {  	[sflag:s31] =	ssyncset.done $0x0  }
0xa4: {  	[sflag:s31] =	ssyncadd.s32 $0xFFFFF380  }
0xa5: {  	[hbm4b:s8+s2] =	stream.linear.scatter [tilespmem:s11], [sflag:$0x3], $0x6400, $0x38;
	[tilespmem:$0x13800] =	vst v63  }
0xa6: {  	_ =	swait.ge [sflag:s0], $0xC80  }
0xa7: {  	[sflag:s0] =	ssyncset.done $0x0  }
0xa8: {  	[sflag:s0] =	ssyncadd.s32 $0xFFFFF380  }
0xa9: {  	_ =	swait.ge [sflag:s0], $0xC80  }
0xaa: {  	[sflag:s0] =	ssyncset.done $0x0  }
0xab: {  	[sflag:s0] =	ssyncadd.s32 $0xFFFFF380  }
0xac: {  	_ =	swait.ge [sflag:s0], $0xC80  }
0xad: {  	[sflag:s0] =	ssyncset.done $0x0  }
0xae: {  	[sflag:s0] =	ssyncadd.s32 $0xFFFFF380  }
0xaf: {  	_ =	swait.ge [sflag:s0], $0xC80  }
0xb0: {  	[sflag:s0] =	ssyncset.done $0x0  }
0xb1: {  	[sflag:s0] =	ssyncadd.s32 $0xFFFFF380  }
0xb2: {  	_ =	swait.ge [sflag:s0], $0xC80  }
0xb3: {  	[sflag:s0] =	ssyncset.done $0x0  }
0xb4: {  	[sflag:s0] =	ssyncadd.s32 $0xFFFFF380  }
0xb5: {  	_ =	swait.ge [sflag:s0], $0xC80  }
0xb6: {  	[sflag:s0] =	ssyncset.done $0x0  }
0xb7: {  	[sflag:s0] =	ssyncadd.s32 $0xFFFFF380  }
0xb8: {  	_ =	swait.ge [sflag:s0], $0xC80  }
0xb9: {  	[sflag:s0] =	ssyncset.done $0x0  }
0xba: {  	[sflag:s0] =	ssyncadd.s32 $0xFFFFF380  }
0xbb: {  	_ =	swait.ge [sflag:s0], $0xC80  }
0xbc: {  	s4 =	sadd.s32 $0x1900, s8;
	[sflag:s0] =	ssyncset.done $0x0  }
0xbd: {  	s6 =	sadd.s32 $0xC80, s8;
	s26 =	simm.s32 $0xE00;
	[sflag:s0] =	ssyncadd.s32 $0xFFFFF380  }
.LBB2_2:
0xbe: {  	[hbm4b:s6+s2] =	stream.linear.scatter [tilespmem:s28], [sflag:$0x4], $0x6400, $0x38;
	[tilespmem:$0x13800] =	vst v63  }
0xbf: {  	s6 =	smov.u32 s26  }
0xc0: {  	p0 =	sne.s32 s26, $0x1A400;
	s26 =	sadd.s32 $0xE00, s26;
	_ =	swait.ge [sflag:s14], $0x6400  }
0xc1: {  	s6 =	sshra.s32 s6, $0x2;
	[sflag:s14] =	ssyncset.done $0x0  }
0xc2: {  	s7 =	sadd.s32 $0x380, s6;
	[sflag:s14] =	ssyncadd.s32 $0xFFFF9C00  }
0xc3: {  	[tilespmem:s11], [sflag:$0x1] =	stream.indirect.gather [hbm4b:s3+s10], $0x40, s7, s10, $0xb8;
	[tilespmem:$0x13800] =	vst v63  }
0xc4: {  	s7 =	sadd.s32 $0x3B8, s6  }
0xc5: {  	[tilespmem:s13], [sflag:$0x1] =	stream.indirect.gather [hbm4b:s3+s10], $0x40, s7, s10, $0xb8;
	[tilespmem:$0x13800] =	vst v63  }
0xc6: {  	s7 =	sadd.s32 $0x3F0, s6  }
0xc7: {  	[tilespmem:s15], [sflag:$0x1] =	stream.indirect.gather [hbm4b:s3+s10], $0x40, s7, s10, $0xb8;
	[tilespmem:$0x13800] =	vst v63  }
0xc8: {  	s7 =	sadd.s32 $0x428, s6  }
0xc9: {  	[tilespmem:s17], [sflag:$0x1] =	stream.indirect.gather [hbm4b:s3+s10], $0x40, s7, s10, $0xb8;
	[tilespmem:$0x13800] =	vst v63  }
0xca: {  	s7 =	sadd.s32 $0x460, s6  }
0xcb: {  	[tilespmem:s19], [sflag:$0x1] =	stream.indirect.gather [hbm4b:s3+s10], $0x40, s7, s10, $0xb8;
	[tilespmem:$0x13800] =	vst v63  }
0xcc: {  	s7 =	sadd.s32 $0x498, s6  }
0xcd: {  	[tilespmem:s21], [sflag:$0x1] =	stream.indirect.gather [hbm4b:s3+s10], $0x40, s7, s10, $0xb8;
	[tilespmem:$0x13800] =	vst v63  }
0xce: {  	s7 =	sadd.s32 $0x4D0, s6  }
0xcf: {  	[tilespmem:s23], [sflag:$0x1] =	stream.indirect.gather [hbm4b:s3+s10], $0x40, s7, s10, $0xb8;
	[tilespmem:$0x13800] =	vst v63  }
0xd0: {  	s7 =	sadd.s32 $0x508, s6  }
0xd1: {  	[tilespmem:s25], [sflag:$0x1] =	stream.indirect.gather [hbm4b:s3+s10], $0x40, s7, s10, $0xb8;
	[tilespmem:$0x13800] =	vst v63  }
0xd2: {  	_ =	swait.ge [sflag:s18], $0x6400  }
0xd3: {  	[sflag:s18] =	ssyncset.done $0x0  }
0xd4: {  	s7 =	sadd.s32 $0x540, s6;
	[sflag:s18] =	ssyncadd.s32 $0xFFFF9C00  }
0xd5: {  	[tilespmem:s28], [sflag:$0x2] =	stream.indirect.gather [hbm4b:s3+s10], $0x40, s7, s10, $0xb8;
	[tilespmem:$0x13800] =	vst v63  }
0xd6: {  	s7 =	sadd.s32 $0x578, s6  }
0xd7: {  	[tilespmem:s30], [sflag:$0x2] =	stream.indirect.gather [hbm4b:s3+s10], $0x40, s7, s10, $0xb8;
	[tilespmem:$0x13800] =	vst v63  }
0xd8: {  	s7 =	sadd.s32 $0x5B0, s6  }
0xd9: {  	[tilespmem:s1], [sflag:$0x2] =	stream.indirect.gather [hbm4b:s3+s10], $0x40, s7, s10, $0xb8;
	[tilespmem:$0x13800] =	vst v63  }
0xda: {  	s7 =	sadd.s32 $0x5E8, s6  }
0xdb: {  	[tilespmem:s12], [sflag:$0x2] =	stream.indirect.gather [hbm4b:s3+s10], $0x40, s7, s10, $0xb8;
	[tilespmem:$0x13800] =	vst v63  }
0xdc: {  	s7 =	sadd.s32 $0x620, s6  }
0xdd: {  	[tilespmem:s16], [sflag:$0x2] =	stream.indirect.gather [hbm4b:s3+s10], $0x40, s7, s10, $0xb8;
	[tilespmem:$0x13800] =	vst v63  }
0xde: {  	s7 =	sadd.s32 $0x658, s6  }
0xdf: {  	[tilespmem:s20], [sflag:$0x2] =	stream.indirect.gather [hbm4b:s3+s10], $0x40, s7, s10, $0xb8;
	[tilespmem:$0x13800] =	vst v63  }
0xe0: {  	s7 =	sadd.s32 $0x690, s6  }
0xe1: {  	[tilespmem:s24], [sflag:$0x2] =	stream.indirect.gather [hbm4b:s3+s10], $0x40, s7, s10, $0xb8;
	[tilespmem:$0x13800] =	vst v63  }
0xe2: {  	s6 =	sadd.s32 $0x6C8, s6  }
0xe3: {  	[tilespmem:s29], [sflag:$0x2] =	stream.indirect.gather [hbm4b:s3+s10], $0x40, s6, s10, $0xb8;
	[tilespmem:$0x13800] =	vst v63  }
0xe4: {  	_ =	swait.ge [sflag:s31], $0xC80  }
0xe5: {  	[sflag:s31] =	ssyncset.done $0x0  }
0xe6: {  	[sflag:s31] =	ssyncadd.s32 $0xFFFFF380  }
0xe7: {  	_ =	swait.ge [sflag:s31], $0xC80  }
0xe8: {  	[sflag:s31] =	ssyncset.done $0x0  }
0xe9: {  	[sflag:s31] =	ssyncadd.s32 $0xFFFFF380  }
0xea: {  	_ =	swait.ge [sflag:s31], $0xC80  }
0xeb: {  	[sflag:s31] =	ssyncset.done $0x0  }
0xec: {  	[sflag:s31] =	ssyncadd.s32 $0xFFFFF380  }
0xed: {  	_ =	swait.ge [sflag:s31], $0xC80  }
0xee: {  	[sflag:s31] =	ssyncset.done $0x0  }
0xef: {  	[sflag:s31] =	ssyncadd.s32 $0xFFFFF380  }
0xf0: {  	_ =	swait.ge [sflag:s31], $0xC80  }
0xf1: {  	[sflag:s31] =	ssyncset.done $0x0  }
0xf2: {  	[sflag:s31] =	ssyncadd.s32 $0xFFFFF380  }
0xf3: {  	_ =	swait.ge [sflag:s31], $0xC80  }
0xf4: {  	[sflag:s31] =	ssyncset.done $0x0  }
0xf5: {  	[sflag:s31] =	ssyncadd.s32 $0xFFFFF380  }
0xf6: {  	_ =	swait.ge [sflag:s31], $0xC80  }
0xf7: {  	[sflag:s31] =	ssyncset.done $0x0  }
0xf8: {  	[sflag:s31] =	ssyncadd.s32 $0xFFFFF380  }
0xf9: {  	_ =	swait.ge [sflag:s31], $0xC80  }
0xfa: {  	[sflag:s31] =	ssyncset.done $0x0  }
0xfb: {  	[sflag:s31] =	ssyncadd.s32 $0xFFFFF380  }
0xfc: {  	[hbm4b:s4+s2] =	stream.linear.scatter [tilespmem:s11], [sflag:$0x3], $0x6400, $0x38;
	[tilespmem:$0x13800] =	vst v63  }
0xfd: {  	_ =	swait.ge [sflag:s0], $0xC80  }
0xfe: {  	[sflag:s0] =	ssyncset.done $0x0  }
0xff: {  	[sflag:s0] =	ssyncadd.s32 $0xFFFFF380  }
0x100: {  	_ =	swait.ge [sflag:s0], $0xC80  }
0x101: {  	[sflag:s0] =	ssyncset.done $0x0  }
0x102: {  	[sflag:s0] =	ssyncadd.s32 $0xFFFFF380  }
0x103: {  	_ =	swait.ge [sflag:s0], $0xC80  }
0x104: {  	[sflag:s0] =	ssyncset.done $0x0  }
0x105: {  	[sflag:s0] =	ssyncadd.s32 $0xFFFFF380  }
0x106: {  	_ =	swait.ge [sflag:s0], $0xC80  }
0x107: {  	[sflag:s0] =	ssyncset.done $0x0  }
0x108: {  	[sflag:s0] =	ssyncadd.s32 $0xFFFFF380  }
0x109: {  	_ =	swait.ge [sflag:s0], $0xC80  }
0x10a: {  	[sflag:s0] =	ssyncset.done $0x0  }
0x10b: {  	[sflag:s0] =	ssyncadd.s32 $0xFFFFF380  }
0x10c: {  	_ =	swait.ge [sflag:s0], $0xC80  }
0x10d: {  	[sflag:s0] =	ssyncset.done $0x0  }
0x10e: {  	[sflag:s0] =	ssyncadd.s32 $0xFFFFF380  }
0x10f: {  	_ =	swait.ge [sflag:s0], $0xC80  }
.Ltmp0:
0x110: {  	[sflag:s0] =	ssyncset.done $0x0;
	(pc) =	sbr.rel @p0 .LBB2_2-.Ltmp0, $4  }
0x111: {  	[sflag:s0] =	ssyncadd.s32 $0xFFFFF380  }
0x112: {  	_ =	swait.ge [sflag:s0], $0xC80  }
0x113: {  	[sflag:s0] =	ssyncset.done $0x0  }
0x114: {  	s6 =	sadd.s32 $0xC80, s4;
	s4 =	sadd.s32 $0x1900, s4;
	[sflag:s0] =	ssyncadd.s32 $0xFFFFF380  }
0x115: {  	[hbm4b:s6+s2] =	stream.linear.scatter [tilespmem:s28], [sflag:$0x4], $0x6400, $0x38;
	[tilespmem:$0x13800] =	vst v63  }
0x116: {  	_ =	swait.ge [sflag:s14], $0x6400  }
0x117: {  	[sflag:s14] =	ssyncset.done $0x0  }
0x118: {  	[sflag:s14] =	ssyncadd.s32 $0xFFFF9C00  }
0x119: {  	_ =	swait.ge [sflag:s18], $0x6400  }
0x11a: {  	s22 =	sadd.s32 $0x1, s22;
	s4 =	rddreg [dreg:$0x5]  }
0x11b: {  	p0 =	sne.s32 s22, s4  }
.Ltmp1:
0x11c: {  	_ = 	snop;
	(pc) =	sbr.rel @p0 .LBB2_1-.Ltmp1, $3  }
0x11d: {  	_ =	sdelay $0x1  }
0x11e: {  	[sflag:s18] =	ssyncset.done $0x0  }
0x11f: {  	[sflag:s18] =	ssyncadd.s32 $0xFFFF9C00  }
0x120: {  	_ =	sfence.sel $0x180000  }
0x121: {  	[bflag:$0x0] =	sbarrier.arrive $0xFFFF  }
0x122: {  	_ =	strace $0x90000047  }
0x123: {  	s0 =	stileid.u32;
	[bflag:$0x2] =	sbarrier.arrive $0xFFFF  }
0x124: {  	p0 =	sne.s32 s0, $0x0;
	s0 =	rddreg [dreg:$0x2]  }
0x125: {  	s0 =	sadd.s32 @!p0 $0x100000, s0  }
0x126: {  	[sflag:s0] =	ssyncadd.tile.s32 @!p0 $0x1;
	_ =	shalt  }
.Lfunc_end2:
_tile_overlayer_lowered:
.L_overlay_start_2:
0x127: {  	(tag) =	ssettag $0x2  }
0x128: {  	s0 =	rddreg [dreg:$0x0];
	s2 =	stileid.u32  }
0x129: {  	s1 =	rddreg [dreg:$0x1];
	p0 =	sne.s32 s2, $0x0  }
0x12a: {  	s3 =	rddreg [dreg:$0x2];
	[bflag:$0x3] =	sbarrier.arrive $0xFFFF;
	s2 =	simm.s32 @!p0 $0x1C05  }
0x12b: {  	[timem:s3], [sflag:s2] =	dma.local @!p0 [hbm:s0], s1  }
0x12c: {  	s0 =	simm.s32 @!p0 $0x5  }
0x12d: {  	_ =	swait.ge @!p0 [sflag:s0], s1  }
0x12e: {  	s1 =	ssub.s32 @!p0 $0x0, s1;
	[sflag:s0] =	ssyncset.done @!p0 $0x0  }
0x12f: {  	[sflag:s0] =	ssyncadd.s32 @!p0 s1  }
0x130: {  	[bflag:$0x3] =	sbarrier.arrive $0xFFFF  }
0x131: {  	_ =	shalt  }

// kernel: sparse-core-data-format-call.cloned.1.call-start
scs
called_computation_lowered:
.L_overlay_start_0:
0x0: {  	s2 =	sld [smem:$0x3FD9]  }
0x1: {  	s3 =	sld [smem:$0x3FFE];
	_ =	sdelay $0x1  }
0x2: {  	s1 =	srdreg.scid  }
0x3: {  	s0 =	sand.u32 $0x1, s1  }
0x4: {  	s18 =	sshll.u32 s0, $0xA;
	s2 =	sadd.s32 s3, s2  }
0x5: {  	s2 =	sadd.s32 s2, s18  }
0x6: {  	[smem:$0x3FC6] =	sst s2  }
0x7: {  	_ = 	snop  }
0x8: {  	s2 =	sld [smem:$0x3FD0];
	(tm) =	ssettm $0x1  }
0x9: {  	s19 =	sld [smem:$0x3FFB];
	_ =	sdelay $0x3  }
0xa: {  	_ =	strace s19  }
0xb: {  	s3 =	sld [smem:$0x3FFC];
	_ =	sdelay $0x3  }
0xc: {  	_ =	strace s3  }
0xd: {  	s3 =	sld [smem:$0x3FFD];
	_ =	sdelay $0x3  }
0xe: {  	_ =	strace s3  }
0xf: {  	_ =	strace $0x8FFFFFFF  }
0x10: {  	s20 =	sld [smem:$0x3FDB];
	_ =	sdelay $0x1  }
0x11: {  	s4 =	simm.s32 $_scs_section_size  }
0x12: {  	s5 =	simm.s32 $_size__tile_overlayer_lowered;
	s6 =	simm.s32 $_tile_overlayer_lowered  }
0x13: {  	s23 =	simm.s32 $0x1BFF;
	s22 =	sshll.u32 s6, $0x1;
	s3 =	sadd.s32 s4, s20  }
0x14: {  	s7 =	simm.s32 $0x0;
	s21 =	sshll.u32 s5, $0x1;
	s5 =	sadd.s32 s22, s3  }
0x15: {  	[timem:s7], [sflag:s23] =	dma.local [hbm:s5], s21  }
0x16: {  	_ =	swait.ge [sflag:s23], s21  }
0x17: {  	s4 =	ssub.s32 $0x0, s21;
	[sflag:s23] =	ssyncset.done $0x0  }
0x18: {  	[sflag:s23] =	ssyncadd.s32 s4;
	_ =	sdelay $0x1  }
0x19: {  	s24 =	simm.s32 $0x1B8B  }
0x1a: {  	_ =	swait.ge [sflag:s24], $0x1  }
0x1b: {  	[sflag:s24] =	ssyncset.done $0x0  }
0x1c: {  	s26 =	simm.s32 $0x1B8E;
	s25 =	sld [smem:$0x3FFE];
	[sflag:s24] =	ssyncadd.s32 $0xFFFFFFFF  }
0x1d: {  	s27 =	simm.s32 $execute0_lowered;
	[smem:$0x3FD2] =	sst s26  }
0x1e: {  	s5 =	sshll.u32 s27, $0x1;
	_ =	strace $0x80000049;
	[dreg:$0x1] =	wrdreg $0xFFFFFFFF  }
0x1f: {  	s28 =	simm.s32 $_size_execute0_lowered;
	s3 =	sadd.s32 s3, s5;
	[dreg:$0x0] =	wrdreg $0x0  }
0x20: {  	s5 =	sshll.u32 s28, $0x1;
	[dreg:$0x2] =	wrdreg s3  }
0x21: {  	[dreg:$0x3] =	wrdreg s5  }
0x22: {  	[dreg:$0x4] =	wrdreg $0xC0  }
0x23: {  	_ =	task [dreg:s7], $0x5FFFF  }
0x24: {  	[dreg:$0x1] =	wrdreg $0xFFFFFFFF  }
0x25: {  	[dreg:$0x0] =	wrdreg $0x60  }
0x26: {  	[dreg:$0x2] =	wrdreg s25  }
0x27: {  	[dreg:$0x3] =	wrdreg s2  }
0x28: {  	[dreg:$0x4] =	wrdreg $0x9  }
0x29: {  	_ =	task.clear_ibuf [dreg:s7], $0x5FFFF;
	_ =	strace $0x90000049  }
0x2a: {  	s29 =	simm.s32 $0x9;
	_ =	strace $0x8000004B  }
0x2b: {  	_ =	swait.ge [sflag:s29], $0x1  }
0x2c: {  	[sflag:s29] =	ssyncadd.s32 $0xFFFFFFFF  }
0x2d: {  	_ =	strace $0x9000004B  }
0x2e: {  	_ =	sfence  }
0x2f: {  	s30 =	sld [smem:$0x0];
	_ =	sdelay $0x2  }
0x30: {  	s31 =	sshll.u32 s1, $0xD;
	s1 =	sshrl.u32 s1, $0x2  }
0x31: {  	s3 =	sand.u32 $0x4000, s31;
	s1 =	sadd.s32 s1, s30  }
0x32: {  	s0 =	sor.u32 s3, s0;
	s1 =	sshll.u32 s1, $0x11  }
0x33: {  	s0 =	sor.u32 s1, s0  }
0x34: {  	s0 =	sadd.s32 $0x8F2B, s0  }
0x35: {  	[sflag:s0] =	ssyncadd.remote.s32 $0x1  }
0x36: {  	_ =	sfence.sel $0xFFFF  }
0x37: {  	[dreg:$0x0] =	wrdreg $0xFFFFFFFF;
	(pc) =	sbr.abs _section_cstart, $3  }
0x38: {  	[dreg:$0x1] =	wrdreg $0xFFFFFFFF  }
0x39: {  	_ =	task.clear_ibuf [dreg:s7], $0x2FFFF;
	_ =	strace $0x9FFFFFFF  }
0x3a: {  	(tm) =	ssettm $0x7FFFFFFF  }
0x3b: {  	_ =	shalt  }
tec
execute0_lowered:
.L_overlay_start_1:
0x0: {  	(tag) =	ssettag $0x1  }
0x1: {  	s0 =	srdreg.scid  }
0x2: {  	s1 =	sshll.u32 s0, $0x4  }
0x3: {  	s0 =	stileid.u32;
	s1 =	sand.u32 $0x10, s1  }
0x4: {  	s1 =	sor.u32 s0, s1  }
0x5: {  	s6 =	rddreg [dreg:$0x0];
	s4 =	simm.s32 $0x1;
	s2 =	sshll.u32 s1, $0x7  }
0x6: {  	s7 =	simm.s32 $0x2;
	s12 =	simm.s32 $0x0;
	s1 =	ssub.s32 $0x4000, s2  }
0x7: {  	s8 =	simm.s32 $0x20000;
	s13 =	simm.s32 $0x0;
	s3 =	sand.u32 $0xF80, s1  }
0x8: {  	s9 =	simm.s32 $0x0;
	s5 =	sshrl.u32 s1, $0xC;
	p0 =	sne.s32 s3, $0x0  }
.Ltmp0:
0x9: {  	s1 =	rddreg [dreg:$0x2];
	s4 =	simm.s32 @!p0 $0x0;
	(pc) =	sbr.rel .LBB1_1-.Ltmp0, $4  }
0xa: {  	s11 =	simm.s32 $0x0;
	s3 =	rddreg [dreg:$0x1];
	s5 =	sadd.s32 s4, s5  }
0xb: {  	_ =	strace $0x8000004A;
	s4 =	simm.s32 $0x1;
	s5 =	smul.u32 $0x32, s5  }
0xc: {  	s6 =	sadd.s32 $0xA00, s6;
	s10 =	smov.u32 s2;
	[sflag:s4] =	ssyncpa.u1 $0x0  }
0xd: {  	p0 =	por $0x0, $0x0;
	[sflag:s7] =	ssyncpa.u1 $0x0;
	s7 =	sor.u32 $0x1, s5  }
.LBB1_4:
0xe: {  	s16 =	sshll.u32 s13, $0x3;
	s17 =	sand.u32 $0x78, s13  }
0xf: {  	s30 =	sand.u32 $0x1F800, s13;
	s12 =	sshll.u32 s12, $0x11;
	s16 =	sand.u32 $0x3C00, s16  }
0x10: {  	[tilespmem:s15+$0x810 ss:$0x81] =	vst.msk $0xffff, v2;
	s31 =	sand.u32 $0x7, s13;
	s16 =	sor.u32 s17, s16;
	s17 =	sadd.s32 s3, s30  }
0x11: {  	[tilespmem:s15+$0x1020 ss:$0x81] =	vst.msk $0xffff, v0;
	s13 =	sshll.u32 s31, $0x12;
	s12 =	sadd.s32 s12, s17;
	s16 =	sshrl.u32 s16, $0x3  }
0x12: {  	[tilespmem:s15+$0x0 ss:$0x81] =	vst.msk $0xffff, v1;
	s13 =	sor.u32 $0x400, s13;
	s12 =	sadd.s32 s16, s12  }
0x13: {  	[hbm4b:s12+s13] =	stream.strided.scatter [tilespmem:s14], [sflag:$0x2], $0x2000, s8, s13, $0x20;
	[tilespmem:$0x8080] =	vst v63  }
.LBB1_5:
0x14: {  	s14 =	sadd.s32 $0x1, s9  }
0x15: {  	s12 =	sadd.s32 $0x1000, s10;
	s16 =	smov.u32 s10;
	p2 =	sgt.s32 s14, $0x31  }
0x16: {  	s16 =	smov.u32 @p2 s12  }
0x17: {  	s14 =	simm.s32 @p2 $0x0;
	p2 =	sgt.s32 s16, $0x3FFF  }
0x18: {  	s16 =	smov.u32 @p2 s2;
	p2 =	sne.s32 s11, s7  }
.Ltmp1:
0x19: {  	p1 =	slt.u32 s11, $0x2;
	(pc) =	sbr.rel @!p2 .LBB1_6-.Ltmp1, $4  }
0x1a: {  	s15 =	simm.s32 @!p1 $0x2  }
0x1b: {  	s13 =	smov.u32 s10;
	p0 =	por !p0, !p0;
	_ =	swait.ge @!p1 [sflag:s15], $0x2000  }
0x1c: {  	s12 =	smov.u32 s9;
	[sflag:s15] =	ssyncset.done @!p1 $0x0;
	s9 =	smov.u32 s14  }
0x1d: {  	s11 =	sadd.s32 $0x1, s11;
	[sflag:s15] =	ssyncadd.s32 @!p1 $0xFFFFE000;
	s10 =	smov.u32 s16  }
.LBB1_1:
0x1e: {  	p1 =	sge.u32 s11, s5  }
0x1f: {  	s14 =	sand.u32 @!p1 $0x1FFFFFF, s9  }
0x20: {  	s15 =	smulhi.u32 @!p1 $0x4924925, s14;
	_ =	sdelay $0x1  }
0x21: {  	s15 =	smul.u32 @!p1 $0x38, s15  }
0x22: {  	s16 =	sxor.u32 @!p1 $0xFFFFFFFF, s11;
	s17 =	smul.u32 @!p1 $0x380, s10  }
0x23: {  	s31 =	sadd.s32 $0xFFFFFFFF, s11;
	s16 =	sshll.u32 @!p1 s16, $0xD;
	s14 =	ssub.s32 @!p1 s14, s15  }
0x24: {  	s15 =	sand.u32 @!p1 $0x2000, s16;
	s16 =	sadd.s32 @!p1 s6, s17;
	s14 =	sshll.u32 @!p1 s14, $0x4  }
0x25: {  	s17 =	simm.s32 @!p1 $0x1C00;
	s14 =	sadd.s32 @!p1 s14, s16;
	s16 =	simm.s32 @!p1 $0x40  }
0x26: {  	[tilespmem:s15], [sflag:$0x1] =	stream.strided.gather @!p1 [hbm4b:s14+s16], $0x2000, s17, s16, $0x38;
	[tilespmem:$0x8080] =	vst v63  }
0x27: {  	p1 =	sge.u32 s31, s5  }
.Ltmp2:
0x28: {  	_ = 	snop;
	(pc) =	sbr.rel @p1 .LBB1_5-.Ltmp2, $1  }
0x29: {  	_ =	sdelay $0x3  }
0x2a: {  	s14 =	simm.s32 $0x1  }
0x2b: {  	_ =	swait.ge [sflag:s4], $0x2000;
	s14 =	simm.s32 @!p0 $0x0  }
0x2c: {  	[sflag:s4] =	ssyncset.done $0x0;
	s15 =	sshll.u32 s14, $0xD  }
0x2d: {  	[sflag:s4] =	ssyncadd.s32 $0xFFFFE000;
	s18 =	sor.u32 $0x20, s15  }
0x2e: {  	s14 =	smul.u32 $0x8100, s14;
	v3 =	vld [tilespmem:s18+$0x10]  }
0x2f: {  	s30 =	sand.u32 $0x1, s11;
	v2 =	vld [tilespmem:s18+$0xFFFFFFF0]  }
0x30: {  	s15 =	smul.u32 $0x8100, s30;
	s14 =	sshrl.u32 s14, $0x2;
	v0 =	vld [tilespmem:s18+$0x0]  }
0x31: {  	v1 =	vld [tilespmem:s18+$0xFFFFFFE0];
	s16 =	sor.u32 $0x4000, s14  }
0x32: {  	s31 =	sshrl.u32 s15, $0x2;
	s15 =	sadd.s32 $0x0, s16  }
0x33: {  	s17 =	simm.s32 $0x4;
	s18 =	sadd.s32 $0x40, s18;
	s14 =	sor.u32 $0x4000, s31;
	[tilespmem:s15+$0x1830 ss:$0x81] =	vst.msk $0xffff, v3  }
.LBB1_3:
0x34: {  	v3 =	vld [tilespmem:s18+$0x10];
	p1 =	sne.s32 s17, $0x1FC;
	[tilespmem:s15+$0x810 ss:$0x81] =	vst.msk $0xffff, v2;
	s19 =	smov.u32 s17;
	s17 =	sadd.s32 $0x4, s17  }
.Ltmp3:
0x35: {  	v2 =	vld [tilespmem:s18+$0xFFFFFFF0];
	[tilespmem:s15+$0x1020 ss:$0x81] =	vst.msk $0xffff, v0;
	(pc) =	sbr.rel @p1 .LBB1_3-.Ltmp3, $4  }
0x36: {  	v0 =	vld [tilespmem:s18+$0x0];
	[tilespmem:s15+$0x0 ss:$0x81] =	vst.msk $0xffff, v1  }
0x37: {  	s15 =	sshra.s32 s19, $0x2;
	v1 =	vld [tilespmem:s18+$0xFFFFFFE0]  }
0x38: {  	s15 =	sadd.s32 s15, s16  }
0x39: {  	s18 =	sadd.s32 $0x40, s18;
	[tilespmem:s15+$0x1830 ss:$0x81] =	vst.msk $0xffff, v3  }
.Ltmp4:
0x3a: {  	_ = 	snop;
	(pc) =	sbr.rel .LBB1_4-.Ltmp4, $1  }
0x3b: {  	_ =	sdelay $0x3  }
.LBB1_6:
0x3c: {  	_ =	sfence.sel $0x180000  }
0x3d: {  	s2 =	simm.s32 $0x1;
	[bflag:$0x0] =	sbarrier.arrive $0xFFFF  }
0x3e: {  	s31 =	simm.s32 $0x2;
	[sflag:s2] =	ssyncpa.u1 $0x1  }
0x3f: {  	[sflag:s31] =	ssyncpa.u1 $0x1  }
0x40: {  	p0 =	sne.s32 s0, $0x0;
	_ =	strace $0x9000004A  }
0x41: {  	s0 =	sadd.s32 @!p0 $0x100000, s1;
	[bflag:$0x2] =	sbarrier.arrive $0xFFFF  }
0x42: {  	[sflag:s0] =	ssyncadd.tile.s32 @!p0 $0x1;
	_ =	shalt  }
.Lfunc_end1:
_tile_overlayer_lowered:
.L_overlay_start_2:
0x43: {  	(tag) =	ssettag $0x2  }
0x44: {  	s0 =	rddreg [dreg:$0x0];
	s2 =	stileid.u32  }
0x45: {  	s1 =	rddreg [dreg:$0x1];
	p0 =	sne.s32 s2, $0x0  }
0x46: {  	s3 =	rddreg [dreg:$0x2];
	[bflag:$0x3] =	sbarrier.arrive $0xFFFF;
	s2 =	simm.s32 @!p0 $0x1C01  }
0x47: {  	[timem:s3], [sflag:s2] =	dma.local @!p0 [hbm:s0], s1  }
0x48: {  	s0 =	simm.s32 @!p0 $0x1  }
0x49: {  	_ =	swait.ge @!p0 [sflag:s0], s1  }
0x4a: {  	s1 =	ssub.s32 @!p0 $0x0, s1;
	[sflag:s0] =	ssyncset.done @!p0 $0x0  }
0x4b: {  	[sflag:s0] =	ssyncadd.s32 @!p0 s1  }
0x4c: {  	[bflag:$0x3] =	sbarrier.arrive $0xFFFF  }
0x4d: {  	_ =	shalt  }

</sc_bundles>
